<compile_context>
chip_gen: v7x
topology: tpu7x:2x2x1
jax: 0.10.2.dev20260603
libtpu: 0.0.44.dev20260713+nightly
codegen_flags: <defaults>
</compile_context>

<pallas_src>
import jax
import jax.numpy as jnp
from jax import lax
from jax.experimental import pallas as pl
from jax.experimental.pallas import tpu as pltpu
from jax.experimental.pallas import tpu_sc as plsc

N = 10000
E = 320000
D = 128
H = 8
C = 16
HC = H * C
NPAD = 10240
ROWW = 144
NC = 2
NS = 16
NW = NC * NS
EPW = E // NW
CH = 128
NFULL = EPW // CH
TAIL = EPW - NFULL * CH
BN = 2000
NB = N // BN
RPT = NPAD // NS

_HIGH = lax.Precision.HIGHEST


def _tc12_body(x_ref, wq_ref, bq_ref, ab_ref, p_ref, e8_ref, t_ref,
               q_s, qa_s, gm_s):
    p = pl.program_id(0)
    i = pl.program_id(1)

    @pl.when(p == 0)
    def _():
        xq = jnp.dot(x_ref[...], wq_ref[...], precision=_HIGH) + bq_ref[...]
        q_s[pl.ds(i * BN, BN), :] = xq
        qa = jnp.dot(xq, ab_ref[...], precision=_HIGH)
        qa_s[pl.ds(i * BN, BN), :] = qa
        bm = jnp.max(qa, axis=0, keepdims=True)

        @pl.when(i == 0)
        def _():
            gm_s[...] = bm

        @pl.when(i != 0)
        def _():
            gm_s[...] = jnp.maximum(gm_s[...], bm)

    @pl.when(p == 1)
    def _():
        qz = jnp.exp(qa_s[pl.ds(i * BN, BN), :] - gm_s[...])
        qzrep = jnp.dot(qz, p_ref[...], precision=_HIGH)
        t_ref[:, :HC] = q_s[pl.ds(i * BN, BN), :] * qzrep
        t_ref[:, HC:ROWW] = jnp.dot(qz, e8_ref[...], precision=_HIGH)


def _tc3_body(a0_ref, a1_ref, b0_ref, b1_ref, p_ref, o_ref):
    num = a0_ref[0] + a1_ref[0]
    den = b0_ref[0, :, :H] + b1_ref[0, :, :H]
    dexp = jnp.dot(den, p_ref[...], precision=_HIGH)
    o_ref[...] = jnp.maximum(num / (dexp + 1e-16), 0.0)


def _sc_body(t_hbm, ei_hbm, z_hbm, outa_hbm, outb_hbm,
             sidx0, didx0, sidx1, didx1, rows0, rows1, didx_t, accum,
             sem0, sem1):
    c = lax.axis_index("c")
    s = lax.axis_index("s")
    base = pl.multiple_of((c * NS + s) * EPW, 8)
    rb = pl.multiple_of(s * RPT, 8)

    def ldidx(j, sidx, didx):
        eb = pl.multiple_of(base + j * CH, 8)
        pltpu.sync_copy(ei_hbm.at[pl.ds(eb, CH)], sidx)
        pltpu.sync_copy(ei_hbm.at[pl.ds(E + eb, CH)], didx)

    def start(sidx, buf, sem):
        pltpu.async_copy(t_hbm.at[sidx], buf, sem)

    def wait(buf, sem):
        pltpu.make_async_copy(t_hbm.at[sidx0], buf, sem).wait()

    def scat(didx, buf):
        pltpu.sync_copy(buf, accum.at[didx], add=True)

    pltpu.sync_copy(z_hbm.at[pl.ds(rb, RPT)], accum.at[pl.ds(rb, RPT)])
    ldidx(0, sidx0, didx0)
    start(sidx0, rows0, sem0)
    plsc.subcore_barrier()

    def body(jj, carry):
        j = 2 * jj
        ldidx(j + 1, sidx1, didx1)
        start(sidx1, rows1, sem1)
        wait(rows0, sem0)
        scat(didx0, rows0)
        ldidx(j + 2, sidx0, didx0)
        start(sidx0, rows0, sem0)
        wait(rows1, sem1)
        scat(didx1, rows1)
        return carry

    lax.fori_loop(0, (NFULL - 2) // 2, body, 0, unroll=False)

    ldidx(NFULL - 1, sidx1, didx1)
    start(sidx1, rows1, sem1)
    wait(rows0, sem0)
    scat(didx0, rows0)
    wait(rows1, sem1)
    scat(didx1, rows1)

    eb = pl.multiple_of(base + NFULL * CH, 8)
    pltpu.sync_copy(ei_hbm.at[pl.ds(eb, TAIL)], sidx0.at[pl.ds(0, TAIL)])
    pltpu.sync_copy(ei_hbm.at[pl.ds(E + eb, TAIL)], didx_t)
    pltpu.async_copy(t_hbm.at[sidx0.at[pl.ds(0, TAIL)]],
                     rows0.at[pl.ds(0, TAIL)], sem0).wait()
    pltpu.sync_copy(rows0.at[pl.ds(0, TAIL)], accum.at[didx_t], add=True)

    plsc.subcore_barrier()

    pltpu.sync_copy(accum.at[pl.ds(rb, RPT), pl.ds(0, HC)],
                    outa_hbm.at[c, pl.ds(rb, RPT)])
    pltpu.sync_copy(accum.at[pl.ds(rb, RPT), pl.ds(HC, ROWW - HC)],
                    outb_hbm.at[c, pl.ds(rb, RPT)])


def kernel(x, Wq, bq, Wk, bk, A, edge_index):
    del Wk, bk
    f32 = jnp.float32
    ab = (A.T[:, :, None] * jnp.eye(H, dtype=f32)[:, None, :]).reshape(HC, H)
    p_exp = jnp.kron(jnp.eye(H, dtype=f32), jnp.ones((1, C), f32))
    e8 = jnp.concatenate([jnp.eye(H, dtype=f32),
                          jnp.zeros((H, ROWW - HC - H), f32)], axis=1)
    bq2 = bq.reshape(1, HC)
    eflat = edge_index.reshape(2 * E)
    zrows = jnp.zeros((NPAD, ROWW), f32)

    t_tab = pl.pallas_call(
        _tc12_body,
        grid=(2, NB),
        in_specs=[
            pl.BlockSpec((BN, D), lambda p, i: (i * (1 - p), 0)),
            pl.BlockSpec((D, HC), lambda p, i: (0, 0)),
            pl.BlockSpec((1, HC), lambda p, i: (0, 0)),
            pl.BlockSpec((HC, H), lambda p, i: (0, 0)),
            pl.BlockSpec((H, HC), lambda p, i: (0, 0)),
            pl.BlockSpec((H, ROWW - HC), lambda p, i: (0, 0)),
        ],
        out_specs=pl.BlockSpec((BN, ROWW),
                               lambda p, i: (NB * (1 - p) + i * p, 0)),
        out_shape=jax.ShapeDtypeStruct((N + BN, ROWW), f32),
        scratch_shapes=[
            pltpu.VMEM((N, HC), f32),
            pltpu.VMEM((N, H), f32),
            pltpu.VMEM((1, H), f32),
        ],
    )(x, Wq, bq2, ab, p_exp, e8)

    mesh = plsc.VectorSubcoreMesh(core_axis_name="c", subcore_axis_name="s",
                                  num_cores=NC, num_subcores=NS)
    acca, accb = pl.kernel(
        _sc_body,
        out_type=[jax.ShapeDtypeStruct((NC, NPAD, HC), f32),
                  jax.ShapeDtypeStruct((NC, NPAD, ROWW - HC), f32)],
        mesh=mesh,
        scratch_types=[
            pltpu.VMEM((CH,), jnp.int32),
            pltpu.VMEM((CH,), jnp.int32),
            pltpu.VMEM((CH,), jnp.int32),
            pltpu.VMEM((CH,), jnp.int32),
            pltpu.VMEM((CH, ROWW), f32),
            pltpu.VMEM((CH, ROWW), f32),
            pltpu.VMEM((TAIL,), jnp.int32),
            pltpu.VMEM_SHARED((NPAD, ROWW), f32),
            pltpu.SemaphoreType.DMA,
            pltpu.SemaphoreType.DMA,
        ],
        compiler_params=pltpu.CompilerParams(use_tc_tiling_on_sc=False),
    )(t_tab, eflat, zrows)

    BN3 = 2000
    out = pl.pallas_call(
        _tc3_body,
        grid=(N // BN3,),
        in_specs=[
            pl.BlockSpec((1, BN3, HC), lambda i: (0, i, 0)),
            pl.BlockSpec((1, BN3, HC), lambda i: (1, i, 0)),
            pl.BlockSpec((1, BN3, ROWW - HC), lambda i: (0, i, 0)),
            pl.BlockSpec((1, BN3, ROWW - HC), lambda i: (1, i, 0)),
            pl.BlockSpec((H, HC), lambda i: (0, 0)),
        ],
        out_specs=pl.BlockSpec((BN3, HC), lambda i: (i, 0)),
        out_shape=jax.ShapeDtypeStruct((N, HC), f32),
    )(acca, acca, accb, accb, p_exp)

    return out

# --- scband reference (transcript-rebuilt; emitter-appended) ---
"""Pipeline reference for scband-gatv2-10806137717385 (READ-ONLY COPY).

The authoritative reference and input builder live on the scoring server;
editing this copy changes nothing except your own understanding.
"""

import jax, jax.numpy as jnp
import numpy as np

N = 10000
E = 320000
D = 128
H = 8
C = 16


def setup_inputs(seed: int = 0) -> dict:
    key = jax.random.key(seed)
    ks = jax.random.split(key, 7)
    x = jax.random.normal(ks[0], (N, D), dtype=jnp.float32)
    edge_index = jax.random.randint(ks[1], (2, E), 0, N, dtype=jnp.int32)
    Wq = jax.random.normal(ks[2], (D, H * C), dtype=jnp.float32) * (1.0 / np.sqrt(D))
    bq = jnp.zeros((H * C,), dtype=jnp.float32)
    Wk = jax.random.normal(ks[3], (D, H * C), dtype=jnp.float32) * (1.0 / np.sqrt(D))
    bk = jnp.zeros((H * C,), dtype=jnp.float32)
    A = jax.random.normal(ks[4], (C, H), dtype=jnp.float32) * (1.0 / np.sqrt(C))
    return {"x": x, "Wq": Wq, "bq": bq, "Wk": Wk, "bk": bk, "A": A, "edge_index": edge_index}


def reference(x, Wq, bq, Wk, bk, A, edge_index):
    src = edge_index[0]
    dst = edge_index[1]
    n = x.shape[0]
    # Linear query/key transforms (the GATv2 layer's W_query / W_key denses)
    q = x @ Wq + bq  # [N, H*C]
    k = x @ Wk + bk  # [N, H*C]
    # Broadcast to edges: query from source node set, key from the other endpoint
    q_e = jnp.take(q, src, axis=0).reshape(-1, H, C)  # [E, H, C]
    k_e = jnp.take(k, dst, axis=0).reshape(-1, H, C)  # [E, H, C]
    features = q_e + k_e  # [E, H, C]
    # EinsumDense '...ik,ki->...i' : per-head attention logits
    logits = jnp.einsum("ehc,ch->eh", features, A)  # [E, H]
    # softmax_edges_per_node over incident edges of each dst node (numerically stable)
    m = jax.ops.segment_max(logits, dst, num_segments=n)  # [N, H]
    m = jnp.where(jnp.isfinite(m), m, 0.0)
    z = jnp.exp(logits - jnp.take(m, dst, axis=0))  # [E, H]
    denom = jax.ops.segment_sum(z, dst, num_segments=n)  # [N, H]
    attn = z / (jnp.take(denom, dst, axis=0) + 1e-16)  # [E, H]
    # messages = query_broadcasted * attention_coefficients
    messages = q_e * attn[:, :, None]  # [E, H, C]
    pooled = jax.nn.relu(jax.ops.segment_sum(messages, dst, num_segments=n))  # [N, H, C]
    return pooled.reshape(n, H * C)

if __name__ == "__main__":
    import jax
    _d = setup_inputs()
    print(jax.jit(kernel)(*tuple(_d.values())))

</pallas_src>

<mosaic_0001>
#map = affine_map<(d0, d1) -> (0, 0)>
#map1 = affine_map<(d0, d1) -> (0)>
#map2 = affine_map<(d0, d1) -> (0, 0, 0)>
module attributes {stable_mosaic.version = 14 : i64} {
  func.func @_sc_body(%arg0: i32, %arg1: i32, %arg2: memref<12000x144xf32, #tpu.memory_space<hbm>>, %arg3: memref<640000xi32, #tpu.memory_space<hbm>>, %arg4: memref<10240x144xf32, #tpu.memory_space<hbm>>, %arg5: memref<2x10240x128xf32, #tpu.memory_space<hbm>>, %arg6: memref<2x10240x16xf32, #tpu.memory_space<hbm>>, %arg7: memref<128xi32, #tpu.memory_space<vmem>>, %arg8: memref<128xi32, #tpu.memory_space<vmem>>, %arg9: memref<128xi32, #tpu.memory_space<vmem>>, %arg10: memref<128xi32, #tpu.memory_space<vmem>>, %arg11: memref<128x144xf32, #tpu.memory_space<vmem>>, %arg12: memref<128x144xf32, #tpu.memory_space<vmem>>, %arg13: memref<16xi32, #tpu.memory_space<vmem>>, %arg14: memref<10240x144xf32, #tpu.memory_space<vmem_shared>>, %arg15: memref<!tpu.dma_semaphore, #tpu.memory_space<semaphore_mem>>, %arg16: memref<!tpu.dma_semaphore, #tpu.memory_space<semaphore_mem>>) attributes {dimension_semantics = [#tpu.dimension_semantics<core_parallel>, #tpu.dimension_semantics<subcore_parallel>], iteration_bounds = array<i64: 2, 16>, scalar_prefetch = 0 : i64, scratch_operands = 10 : i64, tpu.core_type = #tpu.core_type<sc_vector_subcore>, window_params = [{transform_indices = #map}, {transform_indices = #map1}, {transform_indices = #map}, {transform_indices = #map2}, {transform_indices = #map2}]} {
    %mul3A = arith.constant 16 : i32
    %mul3A_0 = arith.muli %arg0, %mul3A : i32
    %add3A = arith.addi %mul3A_0, %arg1 : i32
    %mul3A_1 = arith.constant 10000 : i32
    %mul3A_2 = arith.muli %add3A, %mul3A_1 : i32
    %multiple_of3A = tpu.assume_multiple %mul3A_2, 8 : i32
    %mul3A_3 = arith.constant 640 : i32
    %mul3A_4 = arith.muli %arg1, %mul3A_3 : i32
    %multiple_of3A_5 = tpu.assume_multiple %mul3A_4, 8 : i32
    "tpu.region"() ({
      %run_scoped3A = tpu.sem_alloc : memref<!tpu.dma_semaphore, #tpu.memory_space<semaphore_mem>>
      %dma_start3A_53 = arith.constant 0 : i32
      %dma_start3A_54 = tpu.memref_slice %arg14[%multiple_of3A_5, %dma_start3A_53] : memref<10240x144xf32, #tpu.memory_space<vmem_shared>> -> memref<640x144xf32, #tpu.memory_space<vmem_shared>>
      %dma_start3A_55 = arith.constant 0 : i32
      %dma_start3A_56 = tpu.memref_slice %arg4[%multiple_of3A_5, %dma_start3A_55] : memref<10240x144xf32, #tpu.memory_space<hbm>> -> memref<640x144xf32, #tpu.memory_space<hbm>>
      tpu.enqueue_dma source(%dma_start3A_56 : memref<640x144xf32, #tpu.memory_space<hbm>>) target(%dma_start3A_54 : memref<640x144xf32, #tpu.memory_space<vmem_shared>>) target_semaphore(%run_scoped3A : memref<!tpu.dma_semaphore, #tpu.memory_space<semaphore_mem>>)
      %dma_wait3A_57 = arith.constant 0 : i32
      %dma_wait3A_58 = tpu.memref_slice %arg14[%multiple_of3A_5, %dma_wait3A_57] : memref<10240x144xf32, #tpu.memory_space<vmem_shared>> -> memref<640x144xf32, #tpu.memory_space<vmem_shared>>
      %dma_wait3A_59 = arith.constant 0 : i32
      %dma_wait3A_60 = tpu.memref_slice %arg4[%multiple_of3A_5, %dma_wait3A_59] : memref<10240x144xf32, #tpu.memory_space<hbm>> -> memref<640x144xf32, #tpu.memory_space<hbm>>
      tpu.wait_dma2 semaphore(%run_scoped3A : memref<!tpu.dma_semaphore, #tpu.memory_space<semaphore_mem>>) src(%dma_wait3A_60 : memref<640x144xf32, #tpu.memory_space<hbm>>) dst(%dma_wait3A_58 : memref<640x144xf32, #tpu.memory_space<vmem_shared>>)
      tpu.yield
    }) : () -> ()
    %add3A_6 = arith.constant 0 : i32
    %add3A_7 = arith.addi %multiple_of3A, %add3A_6 : i32
    %multiple_of3A_8 = tpu.assume_multiple %add3A_7, 8 : i32
    "tpu.region"() ({
      %run_scoped3A = tpu.sem_alloc : memref<!tpu.dma_semaphore, #tpu.memory_space<semaphore_mem>>
      %dma_start3A_53 = tpu.memref_slice %arg3[%multiple_of3A_8] : memref<640000xi32, #tpu.memory_space<hbm>> -> memref<128xi32, #tpu.memory_space<hbm>>
      %dma_start3A_54 = tpu.memref_slice %arg3[%multiple_of3A_8] : memref<640000xi32, #tpu.memory_space<hbm>> -> memref<128xi32, #tpu.memory_space<hbm>>
      tpu.enqueue_dma source(%dma_start3A_54 : memref<128xi32, #tpu.memory_space<hbm>>) target(%arg7 : memref<128xi32, #tpu.memory_space<vmem>>) target_semaphore(%run_scoped3A : memref<!tpu.dma_semaphore, #tpu.memory_space<semaphore_mem>>)
      %dma_wait3A_55 = tpu.memref_slice %arg3[%multiple_of3A_8] : memref<640000xi32, #tpu.memory_space<hbm>> -> memref<128xi32, #tpu.memory_space<hbm>>
      %dma_wait3A_56 = tpu.memref_slice %arg3[%multiple_of3A_8] : memref<640000xi32, #tpu.memory_space<hbm>> -> memref<128xi32, #tpu.memory_space<hbm>>
      tpu.wait_dma2 semaphore(%run_scoped3A : memref<!tpu.dma_semaphore, #tpu.memory_space<semaphore_mem>>) src(%dma_wait3A_56 : memref<128xi32, #tpu.memory_space<hbm>>) dst(%arg7 : memref<128xi32, #tpu.memory_space<vmem>>)
      tpu.yield
    }) : () -> ()
    %add3A_9 = arith.constant 320000 : i32
    %add3A_10 = arith.addi %add3A_9, %multiple_of3A_8 : i32
    "tpu.region"() ({
      %run_scoped3A = tpu.sem_alloc : memref<!tpu.dma_semaphore, #tpu.memory_space<semaphore_mem>>
      %dma_start3A_53 = tpu.memref_slice %arg3[%add3A_10] : memref<640000xi32, #tpu.memory_space<hbm>> -> memref<128xi32, #tpu.memory_space<hbm>>
      %dma_start3A_54 = tpu.memref_slice %arg3[%add3A_10] : memref<640000xi32, #tpu.memory_space<hbm>> -> memref<128xi32, #tpu.memory_space<hbm>>
      tpu.enqueue_dma source(%dma_start3A_54 : memref<128xi32, #tpu.memory_space<hbm>>) target(%arg8 : memref<128xi32, #tpu.memory_space<vmem>>) target_semaphore(%run_scoped3A : memref<!tpu.dma_semaphore, #tpu.memory_space<semaphore_mem>>)
      %dma_wait3A_55 = tpu.memref_slice %arg3[%add3A_10] : memref<640000xi32, #tpu.memory_space<hbm>> -> memref<128xi32, #tpu.memory_space<hbm>>
      %dma_wait3A_56 = tpu.memref_slice %arg3[%add3A_10] : memref<640000xi32, #tpu.memory_space<hbm>> -> memref<128xi32, #tpu.memory_space<hbm>>
      tpu.wait_dma2 semaphore(%run_scoped3A : memref<!tpu.dma_semaphore, #tpu.memory_space<semaphore_mem>>) src(%dma_wait3A_56 : memref<128xi32, #tpu.memory_space<hbm>>) dst(%arg8 : memref<128xi32, #tpu.memory_space<vmem>>)
      tpu.yield
    }) : () -> ()
    %dma_start3A = arith.constant 0 : i32
    %dma_start3A_11 = arith.constant 0 : i32
    %dma_start3A_12 = tpu.memref_slice %arg2[%dma_start3A, %dma_start3A_11] : memref<12000x144xf32, #tpu.memory_space<hbm>> -> memref<12000x144xf32, #tpu.memory_space<hbm>>
    tpu.enqueue_indirect_dma source(%dma_start3A_12 : memref<12000x144xf32, #tpu.memory_space<hbm>>) target(%arg11 : memref<128x144xf32, #tpu.memory_space<vmem>>) offsets(%arg7 : memref<128xi32, #tpu.memory_space<vmem>>) semaphore(%arg15 : memref<!tpu.dma_semaphore, #tpu.memory_space<semaphore_mem>>)
    %barrier3A = arith.constant 0 : index
    tpu.barrier barrier_id(%barrier3A)
    %scan3A = arith.constant 0 : i32
    %scan3A_13 = arith.constant 0 : i32
    %scan3A_14 = arith.constant 38 : i32
    %scan3A_15 = arith.addi %scan3A_13, %scan3A_14 : i32
    %scan3A_16 = arith.constant 1 : i32
    scf.for %scan3A_53 = %scan3A_13 to %scan3A_15 step %scan3A_16  : i32 {
      %mul3A_54 = arith.constant 2 : i32
      %mul3A_55 = arith.muli %mul3A_54, %scan3A_53 : i32
      %add3A_56 = arith.constant 1 : i32
      %add3A_57 = arith.addi %mul3A_55, %add3A_56 : i32
      %mul3A_58 = arith.constant 128 : i32
      %mul3A_59 = arith.muli %add3A_57, %mul3A_58 : i32
      %add3A_60 = arith.addi %multiple_of3A, %mul3A_59 : i32
      %multiple_of3A_61 = tpu.assume_multiple %add3A_60, 8 : i32
      "tpu.region"() ({
        %run_scoped3A = tpu.sem_alloc : memref<!tpu.dma_semaphore, #tpu.memory_space<semaphore_mem>>
        %dma_start3A_84 = tpu.memref_slice %arg3[%multiple_of3A_61] : memref<640000xi32, #tpu.memory_space<hbm>> -> memref<128xi32, #tpu.memory_space<hbm>>
        %dma_start3A_85 = tpu.memref_slice %arg3[%multiple_of3A_61] : memref<640000xi32, #tpu.memory_space<hbm>> -> memref<128xi32, #tpu.memory_space<hbm>>
        tpu.enqueue_dma source(%dma_start3A_85 : memref<128xi32, #tpu.memory_space<hbm>>) target(%arg9 : memref<128xi32, #tpu.memory_space<vmem>>) target_semaphore(%run_scoped3A : memref<!tpu.dma_semaphore, #tpu.memory_space<semaphore_mem>>)
        %dma_wait3A_86 = tpu.memref_slice %arg3[%multiple_of3A_61] : memref<640000xi32, #tpu.memory_space<hbm>> -> memref<128xi32, #tpu.memory_space<hbm>>
        %dma_wait3A_87 = tpu.memref_slice %arg3[%multiple_of3A_61] : memref<640000xi32, #tpu.memory_space<hbm>> -> memref<128xi32, #tpu.memory_space<hbm>>
        tpu.wait_dma2 semaphore(%run_scoped3A : memref<!tpu.dma_semaphore, #tpu.memory_space<semaphore_mem>>) src(%dma_wait3A_87 : memref<128xi32, #tpu.memory_space<hbm>>) dst(%arg9 : memref<128xi32, #tpu.memory_space<vmem>>)
        tpu.yield
      }) : () -> ()
      %add3A_62 = arith.constant 320000 : i32
      %add3A_63 = arith.addi %add3A_62, %multiple_of3A_61 : i32
      "tpu.region"() ({
        %run_scoped3A = tpu.sem_alloc : memref<!tpu.dma_semaphore, #tpu.memory_space<semaphore_mem>>
        %dma_start3A_84 = tpu.memref_slice %arg3[%add3A_63] : memref<640000xi32, #tpu.memory_space<hbm>> -> memref<128xi32, #tpu.memory_space<hbm>>
        %dma_start3A_85 = tpu.memref_slice %arg3[%add3A_63] : memref<640000xi32, #tpu.memory_space<hbm>> -> memref<128xi32, #tpu.memory_space<hbm>>
        tpu.enqueue_dma source(%dma_start3A_85 : memref<128xi32, #tpu.memory_space<hbm>>) target(%arg10 : memref<128xi32, #tpu.memory_space<vmem>>) target_semaphore(%run_scoped3A : memref<!tpu.dma_semaphore, #tpu.memory_space<semaphore_mem>>)
        %dma_wait3A_86 = tpu.memref_slice %arg3[%add3A_63] : memref<640000xi32, #tpu.memory_space<hbm>> -> memref<128xi32, #tpu.memory_space<hbm>>
        %dma_wait3A_87 = tpu.memref_slice %arg3[%add3A_63] : memref<640000xi32, #tpu.memory_space<hbm>> -> memref<128xi32, #tpu.memory_space<hbm>>
        tpu.wait_dma2 semaphore(%run_scoped3A : memref<!tpu.dma_semaphore, #tpu.memory_space<semaphore_mem>>) src(%dma_wait3A_87 : memref<128xi32, #tpu.memory_space<hbm>>) dst(%arg10 : memref<128xi32, #tpu.memory_space<vmem>>)
        tpu.yield
      }) : () -> ()
      %dma_start3A_64 = arith.constant 0 : i32
      %dma_start3A_65 = arith.constant 0 : i32
      %dma_start3A_66 = tpu.memref_slice %arg2[%dma_start3A_64, %dma_start3A_65] : memref<12000x144xf32, #tpu.memory_space<hbm>> -> memref<12000x144xf32, #tpu.memory_space<hbm>>
      tpu.enqueue_indirect_dma source(%dma_start3A_66 : memref<12000x144xf32, #tpu.memory_space<hbm>>) target(%arg12 : memref<128x144xf32, #tpu.memory_space<vmem>>) offsets(%arg9 : memref<128xi32, #tpu.memory_space<vmem>>) semaphore(%arg16 : memref<!tpu.dma_semaphore, #tpu.memory_space<semaphore_mem>>)
      %dma_wait3A_67 = arith.constant 0 : i32
      %dma_wait3A_68 = arith.constant 0 : i32
      %dma_wait3A_69 = tpu.memref_slice %arg2[%dma_wait3A_67, %dma_wait3A_68] : memref<12000x144xf32, #tpu.memory_space<hbm>> -> memref<12000x144xf32, #tpu.memory_space<hbm>>
      tpu.wait_indirect_dma semaphore(%arg15 : memref<!tpu.dma_semaphore, #tpu.memory_space<semaphore_mem>>) src(%dma_wait3A_69 : memref<12000x144xf32, #tpu.memory_space<hbm>>) dst(%arg11 : memref<128x144xf32, #tpu.memory_space<vmem>>)
      "tpu.region"() ({
        %run_scoped3A = tpu.sem_alloc : memref<!tpu.dma_semaphore, #tpu.memory_space<semaphore_mem>>
        %dma_start3A_84 = arith.constant 0 : i32
        %dma_start3A_85 = arith.constant 0 : i32
        %dma_start3A_86 = tpu.memref_slice %arg14[%dma_start3A_84, %dma_start3A_85] : memref<10240x144xf32, #tpu.memory_space<vmem_shared>> -> memref<10240x144xf32, #tpu.memory_space<vmem_shared>>
        tpu.enqueue_indirect_dma source(%arg11 : memref<128x144xf32, #tpu.memory_space<vmem>>) target(%dma_start3A_86 : memref<10240x144xf32, #tpu.memory_space<vmem_shared>>) offsets(%arg8 : memref<128xi32, #tpu.memory_space<vmem>>) semaphore(%run_scoped3A : memref<!tpu.dma_semaphore, #tpu.memory_space<semaphore_mem>>) {add = true}
        %dma_wait3A_87 = arith.constant 0 : i32
        %dma_wait3A_88 = arith.constant 0 : i32
        %dma_wait3A_89 = tpu.memref_slice %arg14[%dma_wait3A_87, %dma_wait3A_88] : memref<10240x144xf32, #tpu.memory_space<vmem_shared>> -> memref<10240x144xf32, #tpu.memory_space<vmem_shared>>
        tpu.wait_indirect_dma semaphore(%run_scoped3A : memref<!tpu.dma_semaphore, #tpu.memory_space<semaphore_mem>>) src(%arg11 : memref<128x144xf32, #tpu.memory_space<vmem>>) dst(%dma_wait3A_89 : memref<10240x144xf32, #tpu.memory_space<vmem_shared>>)
        tpu.yield
      }) : () -> ()
      %add3A_70 = arith.constant 2 : i32
      %add3A_71 = arith.addi %mul3A_55, %add3A_70 : i32
      %mul3A_72 = arith.constant 128 : i32
      %mul3A_73 = arith.muli %add3A_71, %mul3A_72 : i32
      %add3A_74 = arith.addi %multiple_of3A, %mul3A_73 : i32
      %multiple_of3A_75 = tpu.assume_multiple %add3A_74, 8 : i32
      "tpu.region"() ({
        %run_scoped3A = tpu.sem_alloc : memref<!tpu.dma_semaphore, #tpu.memory_space<semaphore_mem>>
        %dma_start3A_84 = tpu.memref_slice %arg3[%multiple_of3A_75] : memref<640000xi32, #tpu.memory_space<hbm>> -> memref<128xi32, #tpu.memory_space<hbm>>
        %dma_start3A_85 = tpu.memref_slice %arg3[%multiple_of3A_75] : memref<640000xi32, #tpu.memory_space<hbm>> -> memref<128xi32, #tpu.memory_space<hbm>>
        tpu.enqueue_dma source(%dma_start3A_85 : memref<128xi32, #tpu.memory_space<hbm>>) target(%arg7 : memref<128xi32, #tpu.memory_space<vmem>>) target_semaphore(%run_scoped3A : memref<!tpu.dma_semaphore, #tpu.memory_space<semaphore_mem>>)
        %dma_wait3A_86 = tpu.memref_slice %arg3[%multiple_of3A_75] : memref<640000xi32, #tpu.memory_space<hbm>> -> memref<128xi32, #tpu.memory_space<hbm>>
        %dma_wait3A_87 = tpu.memref_slice %arg3[%multiple_of3A_75] : memref<640000xi32, #tpu.memory_space<hbm>> -> memref<128xi32, #tpu.memory_space<hbm>>
        tpu.wait_dma2 semaphore(%run_scoped3A : memref<!tpu.dma_semaphore, #tpu.memory_space<semaphore_mem>>) src(%dma_wait3A_87 : memref<128xi32, #tpu.memory_space<hbm>>) dst(%arg7 : memref<128xi32, #tpu.memory_space<vmem>>)
        tpu.yield
      }) : () -> ()
      %add3A_76 = arith.constant 320000 : i32
      %add3A_77 = arith.addi %add3A_76, %multiple_of3A_75 : i32
      "tpu.region"() ({
        %run_scoped3A = tpu.sem_alloc : memref<!tpu.dma_semaphore, #tpu.memory_space<semaphore_mem>>
        %dma_start3A_84 = tpu.memref_slice %arg3[%add3A_77] : memref<640000xi32, #tpu.memory_space<hbm>> -> memref<128xi32, #tpu.memory_space<hbm>>
        %dma_start3A_85 = tpu.memref_slice %arg3[%add3A_77] : memref<640000xi32, #tpu.memory_space<hbm>> -> memref<128xi32, #tpu.memory_space<hbm>>
        tpu.enqueue_dma source(%dma_start3A_85 : memref<128xi32, #tpu.memory_space<hbm>>) target(%arg8 : memref<128xi32, #tpu.memory_space<vmem>>) target_semaphore(%run_scoped3A : memref<!tpu.dma_semaphore, #tpu.memory_space<semaphore_mem>>)
        %dma_wait3A_86 = tpu.memref_slice %arg3[%add3A_77] : memref<640000xi32, #tpu.memory_space<hbm>> -> memref<128xi32, #tpu.memory_space<hbm>>
        %dma_wait3A_87 = tpu.memref_slice %arg3[%add3A_77] : memref<640000xi32, #tpu.memory_space<hbm>> -> memref<128xi32, #tpu.memory_space<hbm>>
        tpu.wait_dma2 semaphore(%run_scoped3A : memref<!tpu.dma_semaphore, #tpu.memory_space<semaphore_mem>>) src(%dma_wait3A_87 : memref<128xi32, #tpu.memory_space<hbm>>) dst(%arg8 : memref<128xi32, #tpu.memory_space<vmem>>)
        tpu.yield
      }) : () -> ()
      %dma_start3A_78 = arith.constant 0 : i32
      %dma_start3A_79 = arith.constant 0 : i32
      %dma_start3A_80 = tpu.memref_slice %arg2[%dma_start3A_78, %dma_start3A_79] : memref<12000x144xf32, #tpu.memory_space<hbm>> -> memref<12000x144xf32, #tpu.memory_space<hbm>>
      tpu.enqueue_indirect_dma source(%dma_start3A_80 : memref<12000x144xf32, #tpu.memory_space<hbm>>) target(%arg11 : memref<128x144xf32, #tpu.memory_space<vmem>>) offsets(%arg7 : memref<128xi32, #tpu.memory_space<vmem>>) semaphore(%arg15 : memref<!tpu.dma_semaphore, #tpu.memory_space<semaphore_mem>>)
      %dma_wait3A_81 = arith.constant 0 : i32
      %dma_wait3A_82 = arith.constant 0 : i32
      %dma_wait3A_83 = tpu.memref_slice %arg2[%dma_wait3A_81, %dma_wait3A_82] : memref<12000x144xf32, #tpu.memory_space<hbm>> -> memref<12000x144xf32, #tpu.memory_space<hbm>>
      tpu.wait_indirect_dma semaphore(%arg16 : memref<!tpu.dma_semaphore, #tpu.memory_space<semaphore_mem>>) src(%dma_wait3A_83 : memref<12000x144xf32, #tpu.memory_space<hbm>>) dst(%arg12 : memref<128x144xf32, #tpu.memory_space<vmem>>)
      "tpu.region"() ({
        %run_scoped3A = tpu.sem_alloc : memref<!tpu.dma_semaphore, #tpu.memory_space<semaphore_mem>>
        %dma_start3A_84 = arith.constant 0 : i32
        %dma_start3A_85 = arith.constant 0 : i32
        %dma_start3A_86 = tpu.memref_slice %arg14[%dma_start3A_84, %dma_start3A_85] : memref<10240x144xf32, #tpu.memory_space<vmem_shared>> -> memref<10240x144xf32, #tpu.memory_space<vmem_shared>>
        tpu.enqueue_indirect_dma source(%arg12 : memref<128x144xf32, #tpu.memory_space<vmem>>) target(%dma_start3A_86 : memref<10240x144xf32, #tpu.memory_space<vmem_shared>>) offsets(%arg10 : memref<128xi32, #tpu.memory_space<vmem>>) semaphore(%run_scoped3A : memref<!tpu.dma_semaphore, #tpu.memory_space<semaphore_mem>>) {add = true}
        %dma_wait3A_87 = arith.constant 0 : i32
        %dma_wait3A_88 = arith.constant 0 : i32
        %dma_wait3A_89 = tpu.memref_slice %arg14[%dma_wait3A_87, %dma_wait3A_88] : memref<10240x144xf32, #tpu.memory_space<vmem_shared>> -> memref<10240x144xf32, #tpu.memory_space<vmem_shared>>
        tpu.wait_indirect_dma semaphore(%run_scoped3A : memref<!tpu.dma_semaphore, #tpu.memory_space<semaphore_mem>>) src(%arg12 : memref<128x144xf32, #tpu.memory_space<vmem>>) dst(%dma_wait3A_89 : memref<10240x144xf32, #tpu.memory_space<vmem_shared>>)
        tpu.yield
      }) : () -> ()
    }
    %scan3A_17 = arith.constant 38 : i32
    %add3A_18 = arith.constant 9856 : i32
    %add3A_19 = arith.addi %multiple_of3A, %add3A_18 : i32
    %multiple_of3A_20 = tpu.assume_multiple %add3A_19, 8 : i32
    "tpu.region"() ({
      %run_scoped3A = tpu.sem_alloc : memref<!tpu.dma_semaphore, #tpu.memory_space<semaphore_mem>>
      %dma_start3A_53 = tpu.memref_slice %arg3[%multiple_of3A_20] : memref<640000xi32, #tpu.memory_space<hbm>> -> memref<128xi32, #tpu.memory_space<hbm>>
      %dma_start3A_54 = tpu.memref_slice %arg3[%multiple_of3A_20] : memref<640000xi32, #tpu.memory_space<hbm>> -> memref<128xi32, #tpu.memory_space<hbm>>
      tpu.enqueue_dma source(%dma_start3A_54 : memref<128xi32, #tpu.memory_space<hbm>>) target(%arg9 : memref<128xi32, #tpu.memory_space<vmem>>) target_semaphore(%run_scoped3A : memref<!tpu.dma_semaphore, #tpu.memory_space<semaphore_mem>>)
      %dma_wait3A_55 = tpu.memref_slice %arg3[%multiple_of3A_20] : memref<640000xi32, #tpu.memory_space<hbm>> -> memref<128xi32, #tpu.memory_space<hbm>>
      %dma_wait3A_56 = tpu.memref_slice %arg3[%multiple_of3A_20] : memref<640000xi32, #tpu.memory_space<hbm>> -> memref<128xi32, #tpu.memory_space<hbm>>
      tpu.wait_dma2 semaphore(%run_scoped3A : memref<!tpu.dma_semaphore, #tpu.memory_space<semaphore_mem>>) src(%dma_wait3A_56 : memref<128xi32, #tpu.memory_space<hbm>>) dst(%arg9 : memref<128xi32, #tpu.memory_space<vmem>>)
      tpu.yield
    }) : () -> ()
    %add3A_21 = arith.constant 320000 : i32
    %add3A_22 = arith.addi %add3A_21, %multiple_of3A_20 : i32
    "tpu.region"() ({
      %run_scoped3A = tpu.sem_alloc : memref<!tpu.dma_semaphore, #tpu.memory_space<semaphore_mem>>
      %dma_start3A_53 = tpu.memref_slice %arg3[%add3A_22] : memref<640000xi32, #tpu.memory_space<hbm>> -> memref<128xi32, #tpu.memory_space<hbm>>
      %dma_start3A_54 = tpu.memref_slice %arg3[%add3A_22] : memref<640000xi32, #tpu.memory_space<hbm>> -> memref<128xi32, #tpu.memory_space<hbm>>
      tpu.enqueue_dma source(%dma_start3A_54 : memref<128xi32, #tpu.memory_space<hbm>>) target(%arg10 : memref<128xi32, #tpu.memory_space<vmem>>) target_semaphore(%run_scoped3A : memref<!tpu.dma_semaphore, #tpu.memory_space<semaphore_mem>>)
      %dma_wait3A_55 = tpu.memref_slice %arg3[%add3A_22] : memref<640000xi32, #tpu.memory_space<hbm>> -> memref<128xi32, #tpu.memory_space<hbm>>
      %dma_wait3A_56 = tpu.memref_slice %arg3[%add3A_22] : memref<640000xi32, #tpu.memory_space<hbm>> -> memref<128xi32, #tpu.memory_space<hbm>>
      tpu.wait_dma2 semaphore(%run_scoped3A : memref<!tpu.dma_semaphore, #tpu.memory_space<semaphore_mem>>) src(%dma_wait3A_56 : memref<128xi32, #tpu.memory_space<hbm>>) dst(%arg10 : memref<128xi32, #tpu.memory_space<vmem>>)
      tpu.yield
    }) : () -> ()
    %dma_start3A_23 = arith.constant 0 : i32
    %dma_start3A_24 = arith.constant 0 : i32
    %dma_start3A_25 = tpu.memref_slice %arg2[%dma_start3A_23, %dma_start3A_24] : memref<12000x144xf32, #tpu.memory_space<hbm>> -> memref<12000x144xf32, #tpu.memory_space<hbm>>
    tpu.enqueue_indirect_dma source(%dma_start3A_25 : memref<12000x144xf32, #tpu.memory_space<hbm>>) target(%arg12 : memref<128x144xf32, #tpu.memory_space<vmem>>) offsets(%arg9 : memref<128xi32, #tpu.memory_space<vmem>>) semaphore(%arg16 : memref<!tpu.dma_semaphore, #tpu.memory_space<semaphore_mem>>)
    %dma_wait3A = arith.constant 0 : i32
    %dma_wait3A_26 = arith.constant 0 : i32
    %dma_wait3A_27 = tpu.memref_slice %arg2[%dma_wait3A, %dma_wait3A_26] : memref<12000x144xf32, #tpu.memory_space<hbm>> -> memref<12000x144xf32, #tpu.memory_space<hbm>>
    tpu.wait_indirect_dma semaphore(%arg15 : memref<!tpu.dma_semaphore, #tpu.memory_space<semaphore_mem>>) src(%dma_wait3A_27 : memref<12000x144xf32, #tpu.memory_space<hbm>>) dst(%arg11 : memref<128x144xf32, #tpu.memory_space<vmem>>)
    "tpu.region"() ({
      %run_scoped3A = tpu.sem_alloc : memref<!tpu.dma_semaphore, #tpu.memory_space<semaphore_mem>>
      %dma_start3A_53 = arith.constant 0 : i32
      %dma_start3A_54 = arith.constant 0 : i32
      %dma_start3A_55 = tpu.memref_slice %arg14[%dma_start3A_53, %dma_start3A_54] : memref<10240x144xf32, #tpu.memory_space<vmem_shared>> -> memref<10240x144xf32, #tpu.memory_space<vmem_shared>>
      tpu.enqueue_indirect_dma source(%arg11 : memref<128x144xf32, #tpu.memory_space<vmem>>) target(%dma_start3A_55 : memref<10240x144xf32, #tpu.memory_space<vmem_shared>>) offsets(%arg8 : memref<128xi32, #tpu.memory_space<vmem>>) semaphore(%run_scoped3A : memref<!tpu.dma_semaphore, #tpu.memory_space<semaphore_mem>>) {add = true}
      %dma_wait3A_56 = arith.constant 0 : i32
      %dma_wait3A_57 = arith.constant 0 : i32
      %dma_wait3A_58 = tpu.memref_slice %arg14[%dma_wait3A_56, %dma_wait3A_57] : memref<10240x144xf32, #tpu.memory_space<vmem_shared>> -> memref<10240x144xf32, #tpu.memory_space<vmem_shared>>
      tpu.wait_indirect_dma semaphore(%run_scoped3A : memref<!tpu.dma_semaphore, #tpu.memory_space<semaphore_mem>>) src(%arg11 : memref<128x144xf32, #tpu.memory_space<vmem>>) dst(%dma_wait3A_58 : memref<10240x144xf32, #tpu.memory_space<vmem_shared>>)
      tpu.yield
    }) : () -> ()
    %dma_wait3A_28 = arith.constant 0 : i32
    %dma_wait3A_29 = arith.constant 0 : i32
    %dma_wait3A_30 = tpu.memref_slice %arg2[%dma_wait3A_28, %dma_wait3A_29] : memref<12000x144xf32, #tpu.memory_space<hbm>> -> memref<12000x144xf32, #tpu.memory_space<hbm>>
    tpu.wait_indirect_dma semaphore(%arg16 : memref<!tpu.dma_semaphore, #tpu.memory_space<semaphore_mem>>) src(%dma_wait3A_30 : memref<12000x144xf32, #tpu.memory_space<hbm>>) dst(%arg12 : memref<128x144xf32, #tpu.memory_space<vmem>>)
    "tpu.region"() ({
      %run_scoped3A = tpu.sem_alloc : memref<!tpu.dma_semaphore, #tpu.memory_space<semaphore_mem>>
      %dma_start3A_53 = arith.constant 0 : i32
      %dma_start3A_54 = arith.constant 0 : i32
      %dma_start3A_55 = tpu.memref_slice %arg14[%dma_start3A_53, %dma_start3A_54] : memref<10240x144xf32, #tpu.memory_space<vmem_shared>> -> memref<10240x144xf32, #tpu.memory_space<vmem_shared>>
      tpu.enqueue_indirect_dma source(%arg12 : memref<128x144xf32, #tpu.memory_space<vmem>>) target(%dma_start3A_55 : memref<10240x144xf32, #tpu.memory_space<vmem_shared>>) offsets(%arg10 : memref<128xi32, #tpu.memory_space<vmem>>) semaphore(%run_scoped3A : memref<!tpu.dma_semaphore, #tpu.memory_space<semaphore_mem>>) {add = true}
      %dma_wait3A_56 = arith.constant 0 : i32
      %dma_wait3A_57 = arith.constant 0 : i32
      %dma_wait3A_58 = tpu.memref_slice %arg14[%dma_wait3A_56, %dma_wait3A_57] : memref<10240x144xf32, #tpu.memory_space<vmem_shared>> -> memref<10240x144xf32, #tpu.memory_space<vmem_shared>>
      tpu.wait_indirect_dma semaphore(%run_scoped3A : memref<!tpu.dma_semaphore, #tpu.memory_space<semaphore_mem>>) src(%arg12 : memref<128x144xf32, #tpu.memory_space<vmem>>) dst(%dma_wait3A_58 : memref<10240x144xf32, #tpu.memory_space<vmem_shared>>)
      tpu.yield
    }) : () -> ()
    %add3A_31 = arith.constant 9984 : i32
    %add3A_32 = arith.addi %multiple_of3A, %add3A_31 : i32
    %multiple_of3A_33 = tpu.assume_multiple %add3A_32, 8 : i32
    "tpu.region"() ({
      %run_scoped3A = tpu.sem_alloc : memref<!tpu.dma_semaphore, #tpu.memory_space<semaphore_mem>>
      %dma_start3A_53 = arith.constant 0 : i32
      %dma_start3A_54 = tpu.memref_slice %arg7[%dma_start3A_53] : memref<128xi32, #tpu.memory_space<vmem>> -> memref<16xi32, #tpu.memory_space<vmem>>
      %dma_start3A_55 = tpu.memref_slice %arg3[%multiple_of3A_33] : memref<640000xi32, #tpu.memory_space<hbm>> -> memref<16xi32, #tpu.memory_space<hbm>>
      %dma_start3A_56 = arith.constant 0 : i32
      %dma_start3A_57 = tpu.memref_slice %arg7[%dma_start3A_56] : memref<128xi32, #tpu.memory_space<vmem>> -> memref<16xi32, #tpu.memory_space<vmem>>
      %dma_start3A_58 = tpu.memref_slice %arg3[%multiple_of3A_33] : memref<640000xi32, #tpu.memory_space<hbm>> -> memref<16xi32, #tpu.memory_space<hbm>>
      tpu.enqueue_dma source(%dma_start3A_58 : memref<16xi32, #tpu.memory_space<hbm>>) target(%dma_start3A_57 : memref<16xi32, #tpu.memory_space<vmem>>) target_semaphore(%run_scoped3A : memref<!tpu.dma_semaphore, #tpu.memory_space<semaphore_mem>>)
      %dma_wait3A_59 = arith.constant 0 : i32
      %dma_wait3A_60 = tpu.memref_slice %arg7[%dma_wait3A_59] : memref<128xi32, #tpu.memory_space<vmem>> -> memref<16xi32, #tpu.memory_space<vmem>>
      %dma_wait3A_61 = tpu.memref_slice %arg3[%multiple_of3A_33] : memref<640000xi32, #tpu.memory_space<hbm>> -> memref<16xi32, #tpu.memory_space<hbm>>
      %dma_wait3A_62 = arith.constant 0 : i32
      %dma_wait3A_63 = tpu.memref_slice %arg7[%dma_wait3A_62] : memref<128xi32, #tpu.memory_space<vmem>> -> memref<16xi32, #tpu.memory_space<vmem>>
      %dma_wait3A_64 = tpu.memref_slice %arg3[%multiple_of3A_33] : memref<640000xi32, #tpu.memory_space<hbm>> -> memref<16xi32, #tpu.memory_space<hbm>>
      tpu.wait_dma2 semaphore(%run_scoped3A : memref<!tpu.dma_semaphore, #tpu.memory_space<semaphore_mem>>) src(%dma_wait3A_64 : memref<16xi32, #tpu.memory_space<hbm>>) dst(%dma_wait3A_63 : memref<16xi32, #tpu.memory_space<vmem>>)
      tpu.yield
    }) : () -> ()
    %add3A_34 = arith.constant 320000 : i32
    %add3A_35 = arith.addi %add3A_34, %multiple_of3A_33 : i32
    "tpu.region"() ({
      %run_scoped3A = tpu.sem_alloc : memref<!tpu.dma_semaphore, #tpu.memory_space<semaphore_mem>>
      %dma_start3A_53 = tpu.memref_slice %arg3[%add3A_35] : memref<640000xi32, #tpu.memory_space<hbm>> -> memref<16xi32, #tpu.memory_space<hbm>>
      %dma_start3A_54 = tpu.memref_slice %arg3[%add3A_35] : memref<640000xi32, #tpu.memory_space<hbm>> -> memref<16xi32, #tpu.memory_space<hbm>>
      tpu.enqueue_dma source(%dma_start3A_54 : memref<16xi32, #tpu.memory_space<hbm>>) target(%arg13 : memref<16xi32, #tpu.memory_space<vmem>>) target_semaphore(%run_scoped3A : memref<!tpu.dma_semaphore, #tpu.memory_space<semaphore_mem>>)
      %dma_wait3A_55 = tpu.memref_slice %arg3[%add3A_35] : memref<640000xi32, #tpu.memory_space<hbm>> -> memref<16xi32, #tpu.memory_space<hbm>>
      %dma_wait3A_56 = tpu.memref_slice %arg3[%add3A_35] : memref<640000xi32, #tpu.memory_space<hbm>> -> memref<16xi32, #tpu.memory_space<hbm>>
      tpu.wait_dma2 semaphore(%run_scoped3A : memref<!tpu.dma_semaphore, #tpu.memory_space<semaphore_mem>>) src(%dma_wait3A_56 : memref<16xi32, #tpu.memory_space<hbm>>) dst(%arg13 : memref<16xi32, #tpu.memory_space<vmem>>)
      tpu.yield
    }) : () -> ()
    %dma_start3A_36 = arith.constant 0 : i32
    %dma_start3A_37 = arith.constant 0 : i32
    %dma_start3A_38 = tpu.memref_slice %arg11[%dma_start3A_36, %dma_start3A_37] : memref<128x144xf32, #tpu.memory_space<vmem>> -> memref<16x144xf32, #tpu.memory_space<vmem>>
    %dma_start3A_39 = arith.constant 0 : i32
    %dma_start3A_40 = tpu.memref_slice %arg7[%dma_start3A_39] : memref<128xi32, #tpu.memory_space<vmem>> -> memref<16xi32, #tpu.memory_space<vmem>>
    %dma_start3A_41 = arith.constant 0 : i32
    %dma_start3A_42 = arith.constant 0 : i32
    %dma_start3A_43 = tpu.memref_slice %arg2[%dma_start3A_41, %dma_start3A_42] : memref<12000x144xf32, #tpu.memory_space<hbm>> -> memref<12000x144xf32, #tpu.memory_space<hbm>>
    tpu.enqueue_indirect_dma source(%dma_start3A_43 : memref<12000x144xf32, #tpu.memory_space<hbm>>) target(%dma_start3A_38 : memref<16x144xf32, #tpu.memory_space<vmem>>) offsets(%dma_start3A_40 : memref<16xi32, #tpu.memory_space<vmem>>) semaphore(%arg15 : memref<!tpu.dma_semaphore, #tpu.memory_space<semaphore_mem>>)
    %dma_wait3A_44 = arith.constant 0 : i32
    %dma_wait3A_45 = arith.constant 0 : i32
    %dma_wait3A_46 = tpu.memref_slice %arg11[%dma_wait3A_44, %dma_wait3A_45] : memref<128x144xf32, #tpu.memory_space<vmem>> -> memref<16x144xf32, #tpu.memory_space<vmem>>
    %dma_wait3A_47 = arith.constant 0 : i32
    %dma_wait3A_48 = tpu.memref_slice %arg7[%dma_wait3A_47] : memref<128xi32, #tpu.memory_space<vmem>> -> memref<16xi32, #tpu.memory_space<vmem>>
    %dma_wait3A_49 = arith.constant 0 : i32
    %dma_wait3A_50 = arith.constant 0 : i32
    %dma_wait3A_51 = tpu.memref_slice %arg2[%dma_wait3A_49, %dma_wait3A_50] : memref<12000x144xf32, #tpu.memory_space<hbm>> -> memref<12000x144xf32, #tpu.memory_space<hbm>>
    tpu.wait_indirect_dma semaphore(%arg15 : memref<!tpu.dma_semaphore, #tpu.memory_space<semaphore_mem>>) src(%dma_wait3A_51 : memref<12000x144xf32, #tpu.memory_space<hbm>>) dst(%dma_wait3A_46 : memref<16x144xf32, #tpu.memory_space<vmem>>)
    "tpu.region"() ({
      %run_scoped3A = tpu.sem_alloc : memref<!tpu.dma_semaphore, #tpu.memory_space<semaphore_mem>>
      %dma_start3A_53 = arith.constant 0 : i32
      %dma_start3A_54 = arith.constant 0 : i32
      %dma_start3A_55 = tpu.memref_slice %arg11[%dma_start3A_53, %dma_start3A_54] : memref<128x144xf32, #tpu.memory_space<vmem>> -> memref<16x144xf32, #tpu.memory_space<vmem>>
      %dma_start3A_56 = arith.constant 0 : i32
      %dma_start3A_57 = arith.constant 0 : i32
      %dma_start3A_58 = tpu.memref_slice %arg14[%dma_start3A_56, %dma_start3A_57] : memref<10240x144xf32, #tpu.memory_space<vmem_shared>> -> memref<10240x144xf32, #tpu.memory_space<vmem_shared>>
      tpu.enqueue_indirect_dma source(%dma_start3A_55 : memref<16x144xf32, #tpu.memory_space<vmem>>) target(%dma_start3A_58 : memref<10240x144xf32, #tpu.memory_space<vmem_shared>>) offsets(%arg13 : memref<16xi32, #tpu.memory_space<vmem>>) semaphore(%run_scoped3A : memref<!tpu.dma_semaphore, #tpu.memory_space<semaphore_mem>>) {add = true}
      %dma_wait3A_59 = arith.constant 0 : i32
      %dma_wait3A_60 = arith.constant 0 : i32
      %dma_wait3A_61 = tpu.memref_slice %arg11[%dma_wait3A_59, %dma_wait3A_60] : memref<128x144xf32, #tpu.memory_space<vmem>> -> memref<16x144xf32, #tpu.memory_space<vmem>>
      %dma_wait3A_62 = arith.constant 0 : i32
      %dma_wait3A_63 = arith.constant 0 : i32
      %dma_wait3A_64 = tpu.memref_slice %arg14[%dma_wait3A_62, %dma_wait3A_63] : memref<10240x144xf32, #tpu.memory_space<vmem_shared>> -> memref<10240x144xf32, #tpu.memory_space<vmem_shared>>
      tpu.wait_indirect_dma semaphore(%run_scoped3A : memref<!tpu.dma_semaphore, #tpu.memory_space<semaphore_mem>>) src(%dma_wait3A_61 : memref<16x144xf32, #tpu.memory_space<vmem>>) dst(%dma_wait3A_64 : memref<10240x144xf32, #tpu.memory_space<vmem_shared>>)
      tpu.yield
    }) : () -> ()
    %barrier3A_52 = arith.constant 0 : index
    tpu.barrier barrier_id(%barrier3A_52)
    "tpu.region"() ({
      %run_scoped3A = tpu.sem_alloc : memref<!tpu.dma_semaphore, #tpu.memory_space<semaphore_mem>>
      %dma_start3A_53 = arith.constant 0 : i32
      %dma_start3A_54 = tpu.memref_slice %arg5[%arg0, %multiple_of3A_5, %dma_start3A_53] : memref<2x10240x128xf32, #tpu.memory_space<hbm>> -> memref<1x640x128xf32, #tpu.memory_space<hbm>>
      %dma_start3A_55 = tpu.memref_squeeze %dma_start3A_54 : memref<1x640x128xf32, #tpu.memory_space<hbm>> -> memref<640x128xf32, #tpu.memory_space<hbm>>
      %dma_start3A_56 = arith.constant 0 : i32
      %dma_start3A_57 = tpu.memref_slice %arg14[%multiple_of3A_5, %dma_start3A_56] : memref<10240x144xf32, #tpu.memory_space<vmem_shared>> -> memref<640x128xf32, #tpu.memory_space<vmem_shared>>
      tpu.enqueue_dma source(%dma_start3A_57 : memref<640x128xf32, #tpu.memory_space<vmem_shared>>) target(%dma_start3A_55 : memref<640x128xf32, #tpu.memory_space<hbm>>) target_semaphore(%run_scoped3A : memref<!tpu.dma_semaphore, #tpu.memory_space<semaphore_mem>>)
      %dma_wait3A_58 = arith.constant 0 : i32
      %dma_wait3A_59 = tpu.memref_slice %arg5[%arg0, %multiple_of3A_5, %dma_wait3A_58] : memref<2x10240x128xf32, #tpu.memory_space<hbm>> -> memref<1x640x128xf32, #tpu.memory_space<hbm>>
      %dma_wait3A_60 = tpu.memref_squeeze %dma_wait3A_59 : memref<1x640x128xf32, #tpu.memory_space<hbm>> -> memref<640x128xf32, #tpu.memory_space<hbm>>
      %dma_wait3A_61 = arith.constant 0 : i32
      %dma_wait3A_62 = tpu.memref_slice %arg14[%multiple_of3A_5, %dma_wait3A_61] : memref<10240x144xf32, #tpu.memory_space<vmem_shared>> -> memref<640x128xf32, #tpu.memory_space<vmem_shared>>
      tpu.wait_dma2 semaphore(%run_scoped3A : memref<!tpu.dma_semaphore, #tpu.memory_space<semaphore_mem>>) src(%dma_wait3A_62 : memref<640x128xf32, #tpu.memory_space<vmem_shared>>) dst(%dma_wait3A_60 : memref<640x128xf32, #tpu.memory_space<hbm>>)
      tpu.yield
    }) : () -> ()
    "tpu.region"() ({
      %run_scoped3A = tpu.sem_alloc : memref<!tpu.dma_semaphore, #tpu.memory_space<semaphore_mem>>
      %dma_start3A_53 = arith.constant 0 : i32
      %dma_start3A_54 = tpu.memref_slice %arg6[%arg0, %multiple_of3A_5, %dma_start3A_53] : memref<2x10240x16xf32, #tpu.memory_space<hbm>> -> memref<1x640x16xf32, #tpu.memory_space<hbm>>
      %dma_start3A_55 = tpu.memref_squeeze %dma_start3A_54 : memref<1x640x16xf32, #tpu.memory_space<hbm>> -> memref<640x16xf32, #tpu.memory_space<hbm>>
      %dma_start3A_56 = arith.constant 128 : i32
      %dma_start3A_57 = tpu.memref_slice %arg14[%multiple_of3A_5, %dma_start3A_56] : memref<10240x144xf32, #tpu.memory_space<vmem_shared>> -> memref<640x16xf32, #tpu.memory_space<vmem_shared>>
      tpu.enqueue_dma source(%dma_start3A_57 : memref<640x16xf32, #tpu.memory_space<vmem_shared>>) target(%dma_start3A_55 : memref<640x16xf32, #tpu.memory_space<hbm>>) target_semaphore(%run_scoped3A : memref<!tpu.dma_semaphore, #tpu.memory_space<semaphore_mem>>)
      %dma_wait3A_58 = arith.constant 0 : i32
      %dma_wait3A_59 = tpu.memref_slice %arg6[%arg0, %multiple_of3A_5, %dma_wait3A_58] : memref<2x10240x16xf32, #tpu.memory_space<hbm>> -> memref<1x640x16xf32, #tpu.memory_space<hbm>>
      %dma_wait3A_60 = tpu.memref_squeeze %dma_wait3A_59 : memref<1x640x16xf32, #tpu.memory_space<hbm>> -> memref<640x16xf32, #tpu.memory_space<hbm>>
      %dma_wait3A_61 = arith.constant 128 : i32
      %dma_wait3A_62 = tpu.memref_slice %arg14[%multiple_of3A_5, %dma_wait3A_61] : memref<10240x144xf32, #tpu.memory_space<vmem_shared>> -> memref<640x16xf32, #tpu.memory_space<vmem_shared>>
      tpu.wait_dma2 semaphore(%run_scoped3A : memref<!tpu.dma_semaphore, #tpu.memory_space<semaphore_mem>>) src(%dma_wait3A_62 : memref<640x16xf32, #tpu.memory_space<vmem_shared>>) dst(%dma_wait3A_60 : memref<640x16xf32, #tpu.memory_space<hbm>>)
      tpu.yield
    }) : () -> ()
    return
  }
}

module attributes {stable_mosaic.version = 14 : i64} {
  func.func @_tc12_body(%arg0: i32, %arg1: i32, %arg2: memref<2000x128xf32, #tpu.memory_space<vmem>>, %arg3: memref<128x128xf32, #tpu.memory_space<vmem>>, %arg4: memref<1x128xf32, #tpu.memory_space<vmem>>, %arg5: memref<128x8xf32, #tpu.memory_space<vmem>>, %arg6: memref<8x128xf32, #tpu.memory_space<vmem>>, %arg7: memref<8x16xf32, #tpu.memory_space<vmem>>, %arg8: memref<2000x144xf32, #tpu.memory_space<vmem>>, %arg9: memref<10000x128xf32, #tpu.memory_space<vmem>>, %arg10: memref<10000x8xf32, #tpu.memory_space<vmem>>, %arg11: memref<1x8xf32, #tpu.memory_space<vmem>>) attributes {dimension_semantics = [#tpu.dimension_semantics<arbitrary>, #tpu.dimension_semantics<arbitrary>], iteration_bounds = array<i64: 2, 5>, scalar_prefetch = 0 : i64, scratch_operands = 3 : i64, tpu.core_type = #tpu.core_type<tc>, window_params = [{transform_indices = @transform_0, window_bounds = array<i64: 2000, 128>}, {pipeline_mode = #tpu.pipeline_mode<synchronous>, transform_indices = @transform_1, window_bounds = array<i64: 128, 128>}, {pipeline_mode = #tpu.pipeline_mode<synchronous>, transform_indices = @transform_2, window_bounds = array<i64: 1, 128>}, {pipeline_mode = #tpu.pipeline_mode<synchronous>, transform_indices = @transform_3, window_bounds = array<i64: 128, 8>}, {pipeline_mode = #tpu.pipeline_mode<synchronous>, transform_indices = @transform_4, window_bounds = array<i64: 8, 128>}, {pipeline_mode = #tpu.pipeline_mode<synchronous>, transform_indices = @transform_5, window_bounds = array<i64: 8, 16>}, {transform_indices = @transform_6, window_bounds = array<i64: 2000, 144>}]} {
    %eq3A = arith.constant 0 : i32
    %eq3A_0 = arith.cmpi eq, %arg0, %eq3A : i32
    %convert_element_type3A = arith.extui %eq3A_0 : i1 to i32
    %cond3A = arith.constant 0 : i32
    %cond3A_1 = arith.cmpi ne, %convert_element_type3A, %cond3A : i32
    scf.if %cond3A_1 {
      %get3A = arith.constant 0 : index
      %get3A_7 = arith.constant 0 : index
      %get3A_8 = vector.load %arg2[%get3A, %get3A_7] : memref<2000x128xf32, #tpu.memory_space<vmem>>, vector<2000x128xf32>
      %get3A_9 = arith.constant 0 : index
      %get3A_10 = arith.constant 0 : index
      %get3A_11 = vector.load %arg3[%get3A_9, %get3A_10] : memref<128x128xf32, #tpu.memory_space<vmem>>, vector<128x128xf32>
      %dot_general3A = arith.constant dense<0.000000e+00> : vector<2000x128xf32>
      %dot_general3A_12 = tpu.matmul %get3A_8, %get3A_11, %dot_general3A {dimension_numbers = #tpu.dot_dimension_numbers<[1], [0], [0], [1], [0, 0, 1, 1], [], []>, precision = #tpu.contract_precision<fp32>, transpose_lhs_hint = false} : vector<2000x128xf32>, vector<128x128xf32>, vector<2000x128xf32> -> vector<2000x128xf32>
      %get3A_13 = arith.constant 0 : index
      %get3A_14 = arith.constant 0 : index
      %get3A_15 = vector.load %arg4[%get3A_13, %get3A_14] : memref<1x128xf32, #tpu.memory_space<vmem>>, vector<1x128xf32>
      %add3A = vector.broadcast %get3A_15 : vector<1x128xf32> to vector<2000x128xf32>
      %add3A_16 = arith.addf %dot_general3A_12, %add3A : vector<2000x128xf32>
      %mul3A = arith.constant 2000 : i32
      %mul3A_17 = arith.muli %arg1, %mul3A : i32
      %swap3A = arith.index_cast %mul3A_17 : i32 to index
      %swap3A_18 = arith.constant 0 : index
      %swap3A_19 = vector.load %arg9[%swap3A, %swap3A_18] : memref<10000x128xf32, #tpu.memory_space<vmem>>, vector<2000x128xf32>
      tpu.vector_store %arg9[%swap3A, %swap3A_18], %add3A_16 {strides = array<i32>} : memref<10000x128xf32, #tpu.memory_space<vmem>>, vector<2000x128xf32>,
      %get3A_20 = arith.constant 0 : index
      %get3A_21 = arith.constant 0 : index
      %get3A_22 = vector.load %arg5[%get3A_20, %get3A_21] : memref<128x8xf32, #tpu.memory_space<vmem>>, vector<128x8xf32>
      %dot_general3A_23 = arith.constant dense<0.000000e+00> : vector<2000x8xf32>
      %dot_general3A_24 = tpu.matmul %add3A_16, %get3A_22, %dot_general3A_23 {dimension_numbers = #tpu.dot_dimension_numbers<[1], [0], [0], [1], [0, 0, 1, 1], [], []>, precision = #tpu.contract_precision<fp32>, transpose_lhs_hint = false} : vector<2000x128xf32>, vector<128x8xf32>, vector<2000x8xf32> -> vector<2000x8xf32>
      %mul3A_25 = arith.constant 2000 : i32
      %mul3A_26 = arith.muli %arg1, %mul3A_25 : i32
      %swap3A_27 = arith.index_cast %mul3A_26 : i32 to index
      %swap3A_28 = arith.constant 0 : index
      %swap3A_29 = vector.load %arg10[%swap3A_27, %swap3A_28] : memref<10000x8xf32, #tpu.memory_space<vmem>>, vector<2000x8xf32>
      tpu.vector_store %arg10[%swap3A_27, %swap3A_28], %dot_general3A_24 {strides = array<i32>} : memref<10000x8xf32, #tpu.memory_space<vmem>>, vector<2000x8xf32>,
      %reduce_max3A = arith.constant dense<0xFF800000> : vector<8xf32>
      %reduce_max3A_30 = vector.multi_reduction <maximumf>, %dot_general3A_24, %reduce_max3A [0] : vector<2000x8xf32> to vector<8xf32>
      %broadcast_in_dim3A = vector.shape_cast %reduce_max3A_30 : vector<8xf32> to vector<1x8xf32>
      %eq3A_31 = arith.constant 0 : i32
      %eq3A_32 = arith.cmpi eq, %arg1, %eq3A_31 : i32
      %convert_element_type3A_33 = arith.extui %eq3A_32 : i1 to i32
      %cond3A_34 = arith.constant 0 : i32
      %cond3A_35 = arith.cmpi ne, %convert_element_type3A_33, %cond3A_34 : i32
      scf.if %cond3A_35 {
        %swap3A_40 = arith.constant 0 : index
        %swap3A_41 = arith.constant 0 : index
        %swap3A_42 = vector.load %arg11[%swap3A_40, %swap3A_41] : memref<1x8xf32, #tpu.memory_space<vmem>>, vector<1x8xf32>
        tpu.vector_store %arg11[%swap3A_40, %swap3A_41], %broadcast_in_dim3A {strides = array<i32>} : memref<1x8xf32, #tpu.memory_space<vmem>>, vector<1x8xf32>,
      } else {
      }
      %ne3A = arith.constant 0 : i32
      %ne3A_36 = arith.cmpi ne, %arg1, %ne3A : i32
      %convert_element_type3A_37 = arith.extui %ne3A_36 : i1 to i32
      %cond3A_38 = arith.constant 0 : i32
      %cond3A_39 = arith.cmpi ne, %convert_element_type3A_37, %cond3A_38 : i32
      scf.if %cond3A_39 {
        %get3A_40 = arith.constant 0 : index
        %get3A_41 = arith.constant 0 : index
        %get3A_42 = vector.load %arg11[%get3A_40, %get3A_41] : memref<1x8xf32, #tpu.memory_space<vmem>>, vector<1x8xf32>
        %max3A = arith.maximumf %get3A_42, %broadcast_in_dim3A : vector<1x8xf32>
        %swap3A_43 = arith.constant 0 : index
        %swap3A_44 = arith.constant 0 : index
        %swap3A_45 = vector.load %arg11[%swap3A_43, %swap3A_44] : memref<1x8xf32, #tpu.memory_space<vmem>>, vector<1x8xf32>
        tpu.vector_store %arg11[%swap3A_43, %swap3A_44], %max3A {strides = array<i32>} : memref<1x8xf32, #tpu.memory_space<vmem>>, vector<1x8xf32>,
      } else {
      }
    } else {
    }
    %eq3A_2 = arith.constant 1 : i32
    %eq3A_3 = arith.cmpi eq, %arg0, %eq3A_2 : i32
    %convert_element_type3A_4 = arith.extui %eq3A_3 : i1 to i32
    %cond3A_5 = arith.constant 0 : i32
    %cond3A_6 = arith.cmpi ne, %convert_element_type3A_4, %cond3A_5 : i32
    scf.if %cond3A_6 {
      %mul3A = arith.constant 2000 : i32
      %mul3A_7 = arith.muli %arg1, %mul3A : i32
      %get3A = arith.index_cast %mul3A_7 : i32 to index
      %get3A_8 = arith.constant 0 : index
      %get3A_9 = vector.load %arg10[%get3A, %get3A_8] : memref<10000x8xf32, #tpu.memory_space<vmem>>, vector<2000x8xf32>
      %get3A_10 = arith.constant 0 : index
      %get3A_11 = arith.constant 0 : index
      %get3A_12 = vector.load %arg11[%get3A_10, %get3A_11] : memref<1x8xf32, #tpu.memory_space<vmem>>, vector<1x8xf32>
      %sub3A = vector.broadcast %get3A_12 : vector<1x8xf32> to vector<2000x8xf32>
      %sub3A_13 = arith.subf %get3A_9, %sub3A : vector<2000x8xf32>
      %exp3A = math.exp %sub3A_13 : vector<2000x8xf32>
      %get3A_14 = arith.constant 0 : index
      %get3A_15 = arith.constant 0 : index
      %get3A_16 = vector.load %arg6[%get3A_14, %get3A_15] : memref<8x128xf32, #tpu.memory_space<vmem>>, vector<8x128xf32>
      %dot_general3A = arith.constant dense<0.000000e+00> : vector<2000x128xf32>
      %dot_general3A_17 = tpu.matmul %exp3A, %get3A_16, %dot_general3A {dimension_numbers = #tpu.dot_dimension_numbers<[1], [0], [0], [1], [0, 0, 1, 1], [], []>, precision = #tpu.contract_precision<fp32>, transpose_lhs_hint = false} : vector<2000x8xf32>, vector<8x128xf32>, vector<2000x128xf32> -> vector<2000x128xf32>
      %mul3A_18 = arith.constant 2000 : i32
      %mul3A_19 = arith.muli %arg1, %mul3A_18 : i32
      %get3A_20 = arith.index_cast %mul3A_19 : i32 to index
      %get3A_21 = arith.constant 0 : index
      %get3A_22 = vector.load %arg9[%get3A_20, %get3A_21] : memref<10000x128xf32, #tpu.memory_space<vmem>>, vector<2000x128xf32>
      %mul3A_23 = arith.mulf %get3A_22, %dot_general3A_17 : vector<2000x128xf32>
      %swap3A = arith.constant 0 : index
      %swap3A_24 = arith.constant 0 : index
      %swap3A_25 = vector.load %arg8[%swap3A, %swap3A_24] : memref<2000x144xf32, #tpu.memory_space<vmem>>, vector<2000x128xf32>
      tpu.vector_store %arg8[%swap3A, %swap3A_24], %mul3A_23 {strides = array<i32>} : memref<2000x144xf32, #tpu.memory_space<vmem>>, vector<2000x128xf32>,
      %get3A_26 = arith.constant 0 : index
      %get3A_27 = arith.constant 0 : index
      %get3A_28 = vector.load %arg7[%get3A_26, %get3A_27] : memref<8x16xf32, #tpu.memory_space<vmem>>, vector<8x16xf32>
      %dot_general3A_29 = arith.constant dense<0.000000e+00> : vector<2000x16xf32>
      %dot_general3A_30 = tpu.matmul %exp3A, %get3A_28, %dot_general3A_29 {dimension_numbers = #tpu.dot_dimension_numbers<[1], [0], [0], [1], [0, 0, 1, 1], [], []>, precision = #tpu.contract_precision<fp32>, transpose_lhs_hint = false} : vector<2000x8xf32>, vector<8x16xf32>, vector<2000x16xf32> -> vector<2000x16xf32>
      %swap3A_31 = arith.constant 0 : index
      %swap3A_32 = arith.constant 128 : index
      %swap3A_33 = vector.load %arg8[%swap3A_31, %swap3A_32] : memref<2000x144xf32, #tpu.memory_space<vmem>>, vector<2000x16xf32>
      tpu.vector_store %arg8[%swap3A_31, %swap3A_32], %dot_general3A_30 {strides = array<i32>} : memref<2000x144xf32, #tpu.memory_space<vmem>>, vector<2000x16xf32>,
    } else {
    }
    return
  }
  func.func @transform_0(%arg0: i32, %arg1: i32) -> (i32, i32) {
    %sub3A = arith.constant 1 : i32
    %sub3A_0 = arith.subi %sub3A, %arg0 : i32
    %mul3A = arith.muli %arg1, %sub3A_0 : i32
    %c0_i32 = arith.constant 0 : i32
    %c0_i32_1 = arith.constant 0 : i32
    return %mul3A, %c0_i32 : i32, i32
  }
  func.func @transform_1(%arg0: i32, %arg1: i32) -> (i32, i32) {
    %c0_i32 = arith.constant 0 : i32
    %c0_i32_0 = arith.constant 0 : i32
    %c0_i32_1 = arith.constant 0 : i32
    return %c0_i32, %c0_i32_0 : i32, i32
  }
  func.func @transform_2(%arg0: i32, %arg1: i32) -> (i32, i32) {
    %c0_i32 = arith.constant 0 : i32
    %c0_i32_0 = arith.constant 0 : i32
    %c0_i32_1 = arith.constant 0 : i32
    return %c0_i32, %c0_i32_0 : i32, i32
  }
  func.func @transform_3(%arg0: i32, %arg1: i32) -> (i32, i32) {
    %c0_i32 = arith.constant 0 : i32
    %c0_i32_0 = arith.constant 0 : i32
    %c0_i32_1 = arith.constant 0 : i32
    return %c0_i32, %c0_i32_0 : i32, i32
  }
  func.func @transform_4(%arg0: i32, %arg1: i32) -> (i32, i32) {
    %c0_i32 = arith.constant 0 : i32
    %c0_i32_0 = arith.constant 0 : i32
    %c0_i32_1 = arith.constant 0 : i32
    return %c0_i32, %c0_i32_0 : i32, i32
  }
  func.func @transform_5(%arg0: i32, %arg1: i32) -> (i32, i32) {
    %c0_i32 = arith.constant 0 : i32
    %c0_i32_0 = arith.constant 0 : i32
    %c0_i32_1 = arith.constant 0 : i32
    return %c0_i32, %c0_i32_0 : i32, i32
  }
  func.func @transform_6(%arg0: i32, %arg1: i32) -> (i32, i32) {
    %sub3A = arith.constant 1 : i32
    %sub3A_0 = arith.subi %sub3A, %arg0 : i32
    %mul3A = arith.constant 5 : i32
    %mul3A_1 = arith.muli %mul3A, %sub3A_0 : i32
    %mul3A_2 = arith.muli %arg1, %arg0 : i32
    %add3A = arith.addi %mul3A_1, %mul3A_2 : i32
    %c0_i32 = arith.constant 0 : i32
    %c0_i32_3 = arith.constant 0 : i32
    return %add3A, %c0_i32 : i32, i32
  }
}

module attributes {stable_mosaic.version = 14 : i64} {
  func.func @_tc3_body(%arg0: i32, %arg1: memref<1x2000x128xf32, #tpu.memory_space<vmem>>, %arg2: memref<1x2000x128xf32, #tpu.memory_space<vmem>>, %arg3: memref<1x2000x16xf32, #tpu.memory_space<vmem>>, %arg4: memref<1x2000x16xf32, #tpu.memory_space<vmem>>, %arg5: memref<8x128xf32, #tpu.memory_space<vmem>>, %arg6: memref<2000x128xf32, #tpu.memory_space<vmem>>) attributes {dimension_semantics = [#tpu.dimension_semantics<arbitrary>], iteration_bounds = array<i64: 5>, scalar_prefetch = 0 : i64, scratch_operands = 0 : i64, tpu.core_type = #tpu.core_type<tc>, window_params = [{transform_indices = @transform_0, window_bounds = array<i64: 1, 2000, 128>}, {transform_indices = @transform_1, window_bounds = array<i64: 1, 2000, 128>}, {transform_indices = @transform_2, window_bounds = array<i64: 1, 2000, 16>}, {transform_indices = @transform_3, window_bounds = array<i64: 1, 2000, 16>}, {pipeline_mode = #tpu.pipeline_mode<synchronous>, transform_indices = @transform_4, window_bounds = array<i64: 8, 128>}, {transform_indices = @transform_5, window_bounds = array<i64: 2000, 128>}]} {
    %get3A = arith.constant 0 : index
    %get3A_0 = arith.constant 0 : index
    %get3A_1 = arith.constant 0 : index
    %get3A_2 = vector.load %arg1[%get3A, %get3A_0, %get3A_1] : memref<1x2000x128xf32, #tpu.memory_space<vmem>>, vector<1x2000x128xf32>
    %get3A_3 = vector.shape_cast %get3A_2 : vector<1x2000x128xf32> to vector<2000x128xf32>
    %get3A_4 = arith.constant 0 : index
    %get3A_5 = arith.constant 0 : index
    %get3A_6 = arith.constant 0 : index
    %get3A_7 = vector.load %arg2[%get3A_4, %get3A_5, %get3A_6] : memref<1x2000x128xf32, #tpu.memory_space<vmem>>, vector<1x2000x128xf32>
    %get3A_8 = vector.shape_cast %get3A_7 : vector<1x2000x128xf32> to vector<2000x128xf32>
    %add3A = arith.addf %get3A_3, %get3A_8 : vector<2000x128xf32>
    %get3A_9 = arith.constant 0 : index
    %get3A_10 = arith.constant 0 : index
    %get3A_11 = arith.constant 0 : index
    %get3A_12 = vector.load %arg3[%get3A_9, %get3A_10, %get3A_11] : memref<1x2000x16xf32, #tpu.memory_space<vmem>>, vector<1x2000x8xf32>
    %get3A_13 = vector.shape_cast %get3A_12 : vector<1x2000x8xf32> to vector<2000x8xf32>
    %get3A_14 = arith.constant 0 : index
    %get3A_15 = arith.constant 0 : index
    %get3A_16 = arith.constant 0 : index
    %get3A_17 = vector.load %arg4[%get3A_14, %get3A_15, %get3A_16] : memref<1x2000x16xf32, #tpu.memory_space<vmem>>, vector<1x2000x8xf32>
    %get3A_18 = vector.shape_cast %get3A_17 : vector<1x2000x8xf32> to vector<2000x8xf32>
    %add3A_19 = arith.addf %get3A_13, %get3A_18 : vector<2000x8xf32>
    %get3A_20 = arith.constant 0 : index
    %get3A_21 = arith.constant 0 : index
    %get3A_22 = vector.load %arg5[%get3A_20, %get3A_21] : memref<8x128xf32, #tpu.memory_space<vmem>>, vector<8x128xf32>
    %dot_general3A = arith.constant dense<0.000000e+00> : vector<2000x128xf32>
    %dot_general3A_23 = tpu.matmul %add3A_19, %get3A_22, %dot_general3A {dimension_numbers = #tpu.dot_dimension_numbers<[1], [0], [0], [1], [0, 0, 1, 1], [], []>, precision = #tpu.contract_precision<fp32>, transpose_lhs_hint = false} : vector<2000x8xf32>, vector<8x128xf32>, vector<2000x128xf32> -> vector<2000x128xf32>
    %add3A_24 = arith.constant 1.000000e-16 : f32
    %add3A_25 = vector.broadcast %add3A_24 : f32 to vector<2000x128xf32>
    %add3A_26 = arith.addf %dot_general3A_23, %add3A_25 : vector<2000x128xf32>
    %div3A = arith.divf %add3A, %add3A_26 : vector<2000x128xf32>
    %max3A = arith.constant 0.000000e+00 : f32
    %max3A_27 = vector.broadcast %max3A : f32 to vector<2000x128xf32>
    %max3A_28 = arith.maximumf %div3A, %max3A_27 : vector<2000x128xf32>
    %swap3A = arith.constant 0 : index
    %swap3A_29 = arith.constant 0 : index
    %swap3A_30 = vector.load %arg6[%swap3A, %swap3A_29] : memref<2000x128xf32, #tpu.memory_space<vmem>>, vector<2000x128xf32>
    tpu.vector_store %arg6[%swap3A, %swap3A_29], %max3A_28 {strides = array<i32>} : memref<2000x128xf32, #tpu.memory_space<vmem>>, vector<2000x128xf32>,
    return
  }
  func.func @transform_0(%arg0: i32) -> (i32, i32, i32) {
    %c0_i32 = arith.constant 0 : i32
    %c0_i32_0 = arith.constant 0 : i32
    %c0_i32_1 = arith.constant 0 : i32
    return %c0_i32, %arg0, %c0_i32_0 : i32, i32, i32
  }
  func.func @transform_1(%arg0: i32) -> (i32, i32, i32) {
    %c1_i32 = arith.constant 1 : i32
    %c0_i32 = arith.constant 0 : i32
    %c0_i32_0 = arith.constant 0 : i32
    return %c1_i32, %arg0, %c0_i32 : i32, i32, i32
  }
  func.func @transform_2(%arg0: i32) -> (i32, i32, i32) {
    %c0_i32 = arith.constant 0 : i32
    %c0_i32_0 = arith.constant 0 : i32
    %c0_i32_1 = arith.constant 0 : i32
    return %c0_i32, %arg0, %c0_i32_0 : i32, i32, i32
  }
  func.func @transform_3(%arg0: i32) -> (i32, i32, i32) {
    %c1_i32 = arith.constant 1 : i32
    %c0_i32 = arith.constant 0 : i32
    %c0_i32_0 = arith.constant 0 : i32
    return %c1_i32, %arg0, %c0_i32 : i32, i32, i32
  }
  func.func @transform_4(%arg0: i32) -> (i32, i32) {
    %c0_i32 = arith.constant 0 : i32
    %c0_i32_0 = arith.constant 0 : i32
    %c0_i32_1 = arith.constant 0 : i32
    return %c0_i32, %c0_i32_0 : i32, i32
  }
  func.func @transform_5(%arg0: i32) -> (i32, i32) {
    %c0_i32 = arith.constant 0 : i32
    %c0_i32_0 = arith.constant 0 : i32
    return %arg0, %c0_i32 : i32, i32
  }
}

</mosaic_0001>

<sc_bundles>
// kernel: kernel.5.cloned.1.call-start
scs
__scs_entry_jumppad:
0x0: {  	(pc) =	sbr.rel $0x88, $3  }
0x1: {  	(tag) =	ssettag $0x0;
	lr =	simm.s32 $0x1  }
0x2: {  	[smem:$0x3F9C] =	sst lr;
	_ =	strace $0xD0000000  }
0x3: {  	_ = 	snop  }
0x4: {  	_ = 	snop  }
0x5: {  	_ = 	snop  }
0x6: {  	_ = 	snop  }
0x7: {  	_ = 	snop  }
__scs_overlays_trampoline_lowered:
0x8: {  	[smem:$0x3FAB] =	sst s0  }
0x9: {  	[smem:$0x3FAC] =	sst s1  }
0xa: {  	[smem:$0x3FAD] =	sst s2  }
0xb: {  	[smem:$0x3FAE] =	sst s3  }
0xc: {  	[smem:$0x3FAF] =	sst s4  }
0xd: {  	[smem:$0x3FB0] =	sst s5  }
0xe: {  	[smem:$0x3FB1] =	sst s6  }
0xf: {  	[smem:$0x3FB2] =	sst s7  }
0x10: {  	[smem:$0x3FB3] =	sst s8  }
0x11: {  	[smem:$0x3FB4] =	sst s9;
	s0 =	simm.s32 @!p0 $0x0  }
0x12: {  	s1 =	sld [smem:$0x3F9A];
	s0 =	simm.s32 @p0 $0x1  }
0x13: {  	[smem:$0x3FB5] =	sst s0;
	s0 =	simm.s32 @!p1 $0x0  }
0x14: {  	s2 =	sld [smem:$0x3F99];
	s0 =	simm.s32 @p1 $0x1  }
0x15: {  	[smem:$0x3FB6] =	sst s0;
	s0 =	simm.s32 @!p2 $0x0  }
0x16: {  	s3 =	sld [smem:$0x3FDB];
	s0 =	simm.s32 @p2 $0x1  }
0x17: {  	s4 =	simm.s32 $0x1BF5;
	[smem:$0x3FB8] =	sst s0  }
0x18: {  	s0 =	sld [smem:$0x3F9B];
	_ =	swait.ge [sflag:s4], $0x0  }
0x19: {  	s7 =	sld [smem:$0x3F9C]  }
0x1a: {  	s8 =	sadd.s32 $0xFFFFE003, lr  }
0x1b: {  	s9 =	sadd.s32 $0xFFFFFEF7, lr;
	s5 =	simm.s32 $0xFFFFFFFF;
	p2 =	slt.u32 s8, $0xFFFFF086  }
0x1c: {  	p1 =	slt.u32 s9, $0xF7A;
	s5 =	simm.s32 @!p2 $0x0  }
0x1d: {  	s5 =	simm.s32 @p1 $0x1;
	p0 =	seq.s32 s7, s2  }
0x1e: {  	s7 =	smul.u32 @!p0 $0xF7A, s2;
	p2 =	seq.s32 @!p0 s5, $0x0  }
0x1f: {  	s9 =	smul.u32 $0xF7A, s1;
	s8 =	simm.s32 @!p0 $0x1BF5;
	p2 =	por !p2, p0  }
0x20: {  	[sflag:s8] =	ssyncset.s32 @!p0 $0xFFFFF086;
	s6 =	sadd.s32 @!p0 s3, s7;
	s7 =	simm.s32 @!p0 $0x108  }
0x21: {  	s3 =	sadd.s32 s3, s9;
	s6 =	sadd.s32 @!p0 $0x88, s6;
	s7 =	simm.s32 @p2 $0x1082  }
0x22: {  	[simem:s7], [sflag:s8] =	dma.local @!p0 [hbm:s6], $0xF7A  }
0x23: {  	s9 =	sor.u32 $0xD0000000, s2;
	s6 =	simm.s32 $0x108;
	_ =	swait.ge @!p0 [sflag:s8], $0x0  }
0x24: {  	s3 =	sadd.s32 $0x88, s3;
	s6 =	simm.s32 @!p1 $0x1082;
	[sflag:s4] =	ssyncset.s32 $0xFFFFF086  }
0x25: {  	[simem:s6], [sflag:s4] =	dma.local [hbm:s3], $0xF7A  }
0x26: {  	[smem:$0x3F9C] =	sst s1;
	(tag) =	ssettag s2;
	_ =	strace s9  }
0x27: {  	s1 =	sld [smem:$0x3FAC]  }
0x28: {  	s2 =	sld [smem:$0x3FAD]  }
0x29: {  	s4 =	sld [smem:$0x3FAF]  }
0x2a: {  	p0 =	seq.s32 s5, $0x0;
	s5 =	sld [smem:$0x3FB0]  }
0x2b: {  	s6 =	sld [smem:$0x3FB1]  }
0x2c: {  	s7 =	sld [smem:$0x3FB2]  }
0x2d: {  	s3 =	simm.s32 $0x108;
	s8 =	sld [smem:$0x3FB3]  }
0x2e: {  	s3 =	simm.s32 @!p0 $0x1082;
	s9 =	sld [smem:$0x3FB4]  }
0x2f: {  	lr =	sadd.s32 s0, s3;
	s0 =	sld [smem:$0x3FAB]  }
0x30: {  	s3 =	sld [smem:$0x3FAE]  }
0x31: {  	[smem:$0x3FB7] =	sst s10  }
0x32: {  	s10 =	sld [smem:$0x3FB5];
	_ =	sdelay $0x3  }
0x33: {  	p0 =	seq.s32 s10, $0x1;
	s10 =	sld [smem:$0x3FB7];
	_ =	sdelay $0x3  }
0x34: {  	[smem:$0x3FB7] =	sst s10  }
0x35: {  	s10 =	sld [smem:$0x3FB6];
	_ =	sdelay $0x3  }
0x36: {  	p1 =	seq.s32 s10, $0x1;
	s10 =	sld [smem:$0x3FB7];
	_ =	sdelay $0x3  }
0x37: {  	[smem:$0x3FB7] =	sst s10  }
0x38: {  	s10 =	sld [smem:$0x3FB8]  }
0x39: {  	_ = 	snop;
	(pc) =	sbr.ind lr, $3  }
0x3a: {  	_ = 	snop  }
0x3b: {  	_ = 	snop  }
0x3c: {  	p2 =	seq.s32 s10, $0x1;
	s10 =	sld [smem:$0x3FB7]  }
0x3d: {  	_ =	shalt  }
0x3e: {  	_ =	shalt  }
0x3f: {  	_ =	shalt  }
0x40: {  	_ =	shalt  }
0x41: {  	_ =	shalt  }
0x42: {  	_ =	shalt  }
0x43: {  	_ =	shalt  }
0x44: {  	_ =	shalt  }
0x45: {  	_ =	shalt  }
0x46: {  	_ =	shalt  }
0x47: {  	_ =	shalt  }
0x48: {  	_ =	shalt  }
0x49: {  	_ =	shalt  }
0x4a: {  	_ =	shalt  }
0x4b: {  	_ =	shalt  }
0x4c: {  	_ =	shalt  }
0x4d: {  	_ =	shalt  }
0x4e: {  	_ =	shalt  }
0x4f: {  	_ =	shalt  }
0x50: {  	_ =	shalt  }
0x51: {  	_ =	shalt  }
0x52: {  	_ =	shalt  }
0x53: {  	_ =	shalt  }
0x54: {  	_ =	shalt  }
0x55: {  	_ =	shalt  }
0x56: {  	_ =	shalt  }
0x57: {  	_ =	shalt  }
0x58: {  	_ =	shalt  }
0x59: {  	_ =	shalt  }
0x5a: {  	_ =	shalt  }
0x5b: {  	_ =	shalt  }
0x5c: {  	_ =	shalt  }
0x5d: {  	_ =	shalt  }
0x5e: {  	_ =	shalt  }
0x5f: {  	_ =	shalt  }
0x60: {  	_ =	shalt  }
0x61: {  	_ =	shalt  }
0x62: {  	_ =	shalt  }
0x63: {  	_ =	shalt  }
0x64: {  	_ =	shalt  }
0x65: {  	_ =	shalt  }
0x66: {  	_ =	shalt  }
0x67: {  	_ =	shalt  }
0x68: {  	_ =	shalt  }
0x69: {  	_ =	shalt  }
0x6a: {  	_ =	shalt  }
0x6b: {  	_ =	shalt  }
0x6c: {  	_ =	shalt  }
0x6d: {  	_ =	shalt  }
0x6e: {  	_ =	shalt  }
0x6f: {  	_ =	shalt  }
0x70: {  	_ =	shalt  }
0x71: {  	_ =	shalt  }
0x72: {  	_ =	shalt  }
0x73: {  	_ =	shalt  }
0x74: {  	_ =	shalt  }
0x75: {  	_ =	shalt  }
0x76: {  	_ =	shalt  }
0x77: {  	_ =	shalt  }
0x78: {  	_ =	shalt  }
0x79: {  	_ =	shalt  }
0x7a: {  	_ =	shalt  }
0x7b: {  	_ =	shalt  }
0x7c: {  	_ =	shalt  }
0x7d: {  	_ =	shalt  }
0x7e: {  	_ =	shalt  }
0x7f: {  	_ =	shalt  }
0x80: {  	_ =	shalt  }
0x81: {  	_ =	shalt  }
0x82: {  	_ =	shalt  }
0x83: {  	_ =	shalt  }
0x84: {  	_ =	shalt  }
0x85: {  	_ =	shalt  }
0x86: {  	_ =	shalt  }
0x87: {  	_ =	shalt  }
.Lfunc_end0:
.L_simem_size_0:
called_computation_lowered:
.L_overlay_start_0:
0x88: {  	s2 =	sld [smem:$0x3FD9]  }
0x89: {  	s3 =	sld [smem:$0x3FFE];
	_ =	sdelay $0x1  }
0x8a: {  	s1 =	srdreg.scid  }
0x8b: {  	s0 =	sand.u32 $0x1, s1  }
0x8c: {  	s17 =	sshll.u32 s0, $0xA;
	s2 =	sadd.s32 s3, s2  }
0x8d: {  	s2 =	sadd.s32 s2, s17  }
0x8e: {  	[smem:$0x3FC3] =	sst s2  }
0x8f: {  	_ = 	snop  }
0x90: {  	s2 =	sld [smem:$0x3FD0];
	(tm) =	ssettm $0x1  }
0x91: {  	s18 =	sld [smem:$0x3FFB];
	_ =	sdelay $0x3  }
0x92: {  	_ =	strace s18  }
0x93: {  	s3 =	sld [smem:$0x3FFC];
	_ =	sdelay $0x3  }
0x94: {  	_ =	strace s3  }
0x95: {  	s3 =	sld [smem:$0x3FFD];
	_ =	sdelay $0x3  }
0x96: {  	_ =	strace s3  }
0x97: {  	_ =	strace $0x8FFFFFFF  }
0x98: {  	s19 =	sld [smem:$0x3FDB];
	_ =	sdelay $0x1  }
0x99: {  	s4 =	simm.s32 $_scs_section_size  }
0x9a: {  	s5 =	simm.s32 $_size__tile_overlayer_lowered;
	s6 =	simm.s32 $_tile_overlayer_lowered  }
0x9b: {  	s22 =	simm.s32 $0x1BFF;
	s21 =	sshll.u32 s6, $0x1;
	s3 =	sadd.s32 s4, s19  }
0x9c: {  	s7 =	simm.s32 $0x0;
	s20 =	sshll.u32 s5, $0x1;
	s5 =	sadd.s32 s21, s3  }
0x9d: {  	[timem:s7], [sflag:s22] =	dma.local [hbm:s5], s20  }
0x9e: {  	_ =	swait.ge [sflag:s22], s20  }
0x9f: {  	s4 =	ssub.s32 $0x0, s20;
	[sflag:s22] =	ssyncset.done $0x0  }
0xa0: {  	[sflag:s22] =	ssyncadd.s32 s4;
	_ =	sdelay $0x1  }
0xa1: {  	s23 =	simm.s32 $0x1B8B  }
0xa2: {  	_ =	swait.ge [sflag:s23], $0x1  }
0xa3: {  	[sflag:s23] =	ssyncset.done $0x0  }
0xa4: {  	s25 =	simm.s32 $0x1B8E;
	s24 =	sld [smem:$0x3FFE];
	[sflag:s23] =	ssyncadd.s32 $0xFFFFFFFF  }
0xa5: {  	s26 =	simm.s32 $execute0_lowered;
	[smem:$0x3FD2] =	sst s25  }
0xa6: {  	s5 =	sshll.u32 s26, $0x1;
	_ =	strace $0x80000046;
	[dreg:$0x1] =	wrdreg $0xFFFFFFFF  }
0xa7: {  	s28 =	simm.s32 $_size_execute0_lowered;
	s3 =	sadd.s32 s3, s5;
	[dreg:$0x0] =	wrdreg $0x0  }
0xa8: {  	s5 =	sshll.u32 s28, $0x1;
	[dreg:$0x2] =	wrdreg s3  }
0xa9: {  	[dreg:$0x3] =	wrdreg s5  }
0xaa: {  	[dreg:$0x4] =	wrdreg $0xC0  }
0xab: {  	_ =	task [dreg:s7], $0x5FFFF  }
0xac: {  	[dreg:$0x1] =	wrdreg $0xFFFFFFFF  }
0xad: {  	[dreg:$0x0] =	wrdreg $0x60  }
0xae: {  	[dreg:$0x2] =	wrdreg s24  }
0xaf: {  	[dreg:$0x3] =	wrdreg s2  }
0xb0: {  	[dreg:$0x4] =	wrdreg $0x92100  }
0xb1: {  	[dreg:$0x5] =	wrdreg $0x9  }
0xb2: {  	_ =	task.clear_ibuf [dreg:s7], $0x6FFFF;
	_ =	strace $0x90000046  }
0xb3: {  	s29 =	simm.s32 $0x9;
	_ =	strace $0x80000048  }
0xb4: {  	_ =	swait.ge [sflag:s29], $0x1  }
0xb5: {  	[sflag:s29] =	ssyncadd.s32 $0xFFFFFFFF  }
0xb6: {  	_ =	strace $0x90000048  }
0xb7: {  	_ =	sfence  }
0xb8: {  	s30 =	sld [smem:$0x0];
	_ =	sdelay $0x2  }
0xb9: {  	s31 =	sshll.u32 s1, $0xD;
	s1 =	sshrl.u32 s1, $0x2  }
0xba: {  	s3 =	sand.u32 $0x4000, s31;
	s1 =	sadd.s32 s1, s30  }
0xbb: {  	s0 =	sor.u32 s3, s0;
	s1 =	sshll.u32 s1, $0x11  }
0xbc: {  	s0 =	sor.u32 s1, s0  }
0xbd: {  	s0 =	sadd.s32 $0x8F2B, s0  }
0xbe: {  	[sflag:s0] =	ssyncadd.remote.s32 $0x1  }
0xbf: {  	_ =	sfence.sel $0xFFFF  }
0xc0: {  	[dreg:$0x0] =	wrdreg $0xFFFFFFFF;
	(pc) =	sbr.abs _section_cstart, $3  }
0xc1: {  	[dreg:$0x1] =	wrdreg $0xFFFFFFFF  }
0xc2: {  	_ =	task.clear_ibuf [dreg:s7], $0x2FFFF;
	_ =	strace $0x9FFFFFFF  }
0xc3: {  	(tm) =	ssettm $0x7FFFFFFF  }
tec
execute0_lowered:
.L_overlay_start_1:
0x0: {  	(tag) =	ssettag $0x1  }
0x1: {  	s0 =	rddreg [dreg:$0x0]  }
0x2: {  	s2 =	rddreg [dreg:$0x1]  }
0x3: {  	s14 =	stileid.u32;
	s1 =	srdreg.scid  }
0x4: {  	s3 =	rddreg [dreg:$0x2];
	s4 =	simm.s32 $0x0;
	s6 =	smul.u32 $0x16800, s14  }
0x5: {  	s28 =	simm.s32 $0x180;
	s29 =	simm.s32 $0x4A00;
	s8 =	smul.u32 $0x14000, s14  }
0x6: {  	s30 =	simm.s32 $0x1;
	s31 =	simm.s32 $0x2;
	s13 =	smul.u32 $0x2800, s14  }
0x7: {  	s1 =	sand.u32 $0x1, s1;
	[smem:$0x7FF] =	sst s4;
	s22 =	smul.u32 $0x2710, s14  }
0x8: {  	s5 =	sadd.s32 $0x1200, s0;
	s16 =	sshll.u32 s14, $0x6;
	s7 =	smul.u32 $0x140000, s1  }
0x9: {  	_ =	strace $0x80000047;
	s9 =	smul.u32 $0x28000, s1;
	s11 =	sshll.u32 s1, $0x4  }
0xa: {  	s15 =	ssub.s32 $0x2, s1;
	s1 =	smul.u32 $0x27100, s1;
	s10 =	sshrl.u32 s6, $0x3  }
0xb: {  	s11 =	sor.u32 s14, s11;
	s12 =	sshrl.u32 s15, $0x1;
	s6 =	sadd.s32 s6, s3  }
0xc: {  	s7 =	sadd.s32 s8, s7;
	s10 =	sadd.s32 s10, s0;
	s8 =	sadd.s32 s13, s9  }
0xd: {  	s11 =	smul.u32 $0x2710, s11;
	s9 =	ssub.s32 s15, s12;
	s25 =	sadd.s32 $0x80, s6  }
0xe: {  	s1 =	sadd.s32 s22, s1;
	s22 =	simm.s32 $0x3;
	s7 =	sshrl.u32 s7, $0x3  }
0xf: {  	s8 =	sshrl.u32 s8, $0x3;
	s10 =	sadd.s32 $0x35E00, s10;
	s26 =	sadd.s32 $0x4E300, s1  }
0x10: {  	s25 =	sshrl.u32 s25, $0x3;
	s13 =	sadd.s32 s7, s0;
	s0 =	sadd.s32 s8, s0  }
0x11: {  	s17 =	sshrl.u32 s11, $0x3;
	[dreg:$0x4] =	wrdreg s10;
	s7 =	sor.u32 $0x1C03, s16  }
0x12: {  	s16 =	smax.u32 s9, $0x1;
	s10 =	sadd.s32 $0x80, s1;
	s9 =	sshrl.u32 s26, $0x3  }
0x13: {  	s26 =	simm.s32 $0x100;
	s8 =	sadd.s32 s2, s17;
	s24 =	sadd.s32 $0x6CE00, s13  }
0x14: {  	s0 =	sadd.s32 $0x62E00, s0;
	s17 =	sadd.s32 $0x100, s1;
	[dreg:$0xa] =	wrdreg s24  }
0x15: {  	s10 =	sshrl.u32 s10, $0x3;
	s18 =	sadd.s32 $0x9C40, s8;
	[dreg:$0xb] =	wrdreg s0  }
0x16: {  	s1 =	sadd.s32 $0x4E280, s1;
	s19 =	sadd.s32 $0x4D0, s8;
	[dreg:$0x5] =	wrdreg s18  }
0x17: {  	s20 =	sadd.s32 $0xA110, s8;
	s21 =	sadd.s32 $0x4E0, s8;
	[dreg:$0x6] =	wrdreg s19  }
0x18: {  	s23 =	sadd.s32 $0xA120, s8;
	s1 =	sshrl.u32 s1, $0x3;
	[dreg:$0x7] =	wrdreg s20  }
0x19: {  	s24 =	simm.s32 $0x200;
	s0 =	simm.s32 $0x10;
	[dreg:$0x8] =	wrdreg s21  }
0x1a: {  	[dreg:$0x9] =	wrdreg s23;
	s18 =	sadd.s32 s9, s2;
	s19 =	sadd.s32 s10, s2  }
0x1b: {  	s20 =	sadd.s32 s1, s2;
	s21 =	sshrl.u32 s6, $0x3;
	s23 =	simm.s32 $0x80  }
0x1c: {  	s1 =	simm.s32 $0x9200;
	s6 =	simm.s32 $0x12;
	s9 =	simm.s32 $0x0  }
.LBB2_1:
0x1d: {  	s10 =	rddreg [dreg:$0x4]  }
0x1e: {  	[spmem:s21], [sflag:s7] =	dma.local [hbm:s10], $0x2D00  }
0x1f: {  	_ =	swait.ge [sflag:s22], $0x2D00  }
0x20: {  	[sflag:s22] =	ssyncset.done $0x0  }
0x21: {  	[sflag:s22] =	ssyncadd.s32 $0xFFFFD300  }
0x22: {  	[tilespmem:s4], [sflag:$0x3] =	stream.linear.gather [hbm4b:s8+s4], $0x80, $0x38;
	[tilespmem:$0x1FA10] =	vst v63  }
0x23: {  	_ =	swait.ge [sflag:s22], $0x80  }
0x24: {  	[sflag:s22] =	ssyncset.done $0x0  }
0x25: {  	s11 =	rddreg [dreg:$0x5];
	[sflag:s22] =	ssyncadd.s32 $0xFFFFFF80  }
0x26: {  	[tilespmem:s23], [sflag:$0x3] =	stream.linear.gather [hbm4b:s11+s4], $0x80, $0x38;
	[tilespmem:$0x1FA10] =	vst v63  }
0x27: {  	_ =	swait.ge [sflag:s22], $0x80  }
0x28: {  	[sflag:s22] =	ssyncset.done $0x0  }
0x29: {  	[sflag:s22] =	ssyncadd.s32 $0xFFFFFF80  }
0x2a: {  	[tilespmem:s24], [sflag:$0x1] =	stream.indirect.gather [hbm4b:s5+s23], $0x90, s4, s23, $0xb8;
	[tilespmem:$0x1FA10] =	vst v63  }
0x2b: {  	s12 =	sadd.s32 $0x0, s19;
	[bflag:$0x0] =	sbarrier.arrive $0xFFFF  }
0x2c: {  	[tilespmem:s26], [sflag:$0x3] =	stream.linear.gather [hbm4b:s12+s4], $0x80, $0x38;
	[tilespmem:$0x1FA10] =	vst v63  }
0x2d: {  	_ =	swait.ge [sflag:s22], $0x80  }
0x2e: {  	[sflag:s22] =	ssyncset.done $0x0  }
0x2f: {  	s13 =	sadd.s32 $0x0, s20;
	[sflag:s22] =	ssyncadd.s32 $0xFFFFFF80  }
0x30: {  	[tilespmem:s28], [sflag:$0x3] =	stream.linear.gather [hbm4b:s13+s4], $0x80, $0x38;
	[tilespmem:$0x1FA10] =	vst v63  }
0x31: {  	_ =	swait.ge [sflag:s22], $0x80  }
0x32: {  	[sflag:s22] =	ssyncset.done $0x0  }
0x33: {  	[sflag:s22] =	ssyncadd.s32 $0xFFFFFF80  }
0x34: {  	[tilespmem:s29], [sflag:$0x2] =	stream.indirect.gather [hbm4b:s5+s23], $0x90, s26, s23, $0xb8;
	[tilespmem:$0x1FA10] =	vst v63  }
0x35: {  	_ =	swait.ge [sflag:s30], $0x4800  }
0x36: {  	[sflag:s30] =	ssyncset.done $0x0  }
0x37: {  	[sflag:s30] =	ssyncadd.s32 $0xFFFFB800  }
0x38: {  	[spmem:s3] =	stream.indirect.scatter.add.f32 [tilespmem:s24], [sflag:$0x3], $0x90, s23, s23, $0xb8;
	[tilespmem:$0x1FA10] =	vst v63  }
0x39: {  	_ =	swait.ge [sflag:s22], $0x4800  }
0x3a: {  	s14 =	sshrl.u32 s17, $0x3;
	[sflag:s22] =	ssyncset.done $0x0  }
0x3b: {  	s10 =	sadd.s32 s2, s14;
	[sflag:s22] =	ssyncadd.s32 $0xFFFFB800  }
0x3c: {  	[tilespmem:s4], [sflag:$0x3] =	stream.linear.gather [hbm4b:s10+s4], $0x80, $0x38;
	[tilespmem:$0x1FA10] =	vst v63  }
0x3d: {  	_ =	swait.ge [sflag:s22], $0x80  }
0x3e: {  	[sflag:s22] =	ssyncset.done $0x0  }
0x3f: {  	s15 =	sadd.s32 $0x0, s18;
	[sflag:s22] =	ssyncadd.s32 $0xFFFFFF80  }
0x40: {  	[tilespmem:s23], [sflag:$0x3] =	stream.linear.gather [hbm4b:s15+s4], $0x80, $0x38;
	[tilespmem:$0x1FA10] =	vst v63  }
0x41: {  	_ =	swait.ge [sflag:s22], $0x80  }
0x42: {  	[sflag:s22] =	ssyncset.done $0x0  }
0x43: {  	[sflag:s22] =	ssyncadd.s32 $0xFFFFFF80  }
0x44: {  	[tilespmem:s24], [sflag:$0x1] =	stream.indirect.gather [hbm4b:s5+s23], $0x90, s4, s23, $0xb8;
	[tilespmem:$0x1FA10] =	vst v63  }
0x45: {  	_ =	swait.ge [sflag:s31], $0x4800  }
0x46: {  	[sflag:s31] =	ssyncset.done $0x0  }
0x47: {  	[sflag:s31] =	ssyncadd.s32 $0xFFFFB800  }
0x48: {  	[spmem:s3] =	stream.indirect.scatter.add.f32 [tilespmem:s29], [sflag:$0x3], $0x90, s28, s23, $0xb8;
	[tilespmem:$0x1FA10] =	vst v63  }
0x49: {  	s11 =	sadd.s32 $0x100, s17;
	_ =	swait.ge [sflag:s22], $0x4800  }
0x4a: {  	s12 =	simm.s32 $0x40;
	s10 =	simm.s32 $0x20;
	[sflag:s22] =	ssyncset.done $0x0  }
.LBB2_2:
0x4b: {  	s14 =	sadd.s32 s10, s19  }
0x4c: {  	[sflag:s22] =	ssyncadd.s32 $0xFFFFB800;
	s15 =	smov.u32 s12;
	s13 =	sadd.s32 $0x20, s12  }
0x4d: {  	[tilespmem:s26], [sflag:$0x3] =	stream.linear.gather [hbm4b:s14+s4], $0x80, $0x38;
	[tilespmem:$0x1FA10] =	vst v63  }
0x4e: {  	p0 =	sne.s32 s12, $0x4A0;
	_ =	swait.ge [sflag:s22], $0x80  }
0x4f: {  	[sflag:s22] =	ssyncset.done $0x0  }
0x50: {  	s12 =	sadd.s32 s10, s20;
	[sflag:s22] =	ssyncadd.s32 $0xFFFFFF80  }
0x51: {  	[tilespmem:s28], [sflag:$0x3] =	stream.linear.gather [hbm4b:s12+s4], $0x80, $0x38;
	[tilespmem:$0x1FA10] =	vst v63  }
0x52: {  	_ =	swait.ge [sflag:s22], $0x80  }
0x53: {  	[sflag:s22] =	ssyncset.done $0x0  }
0x54: {  	[sflag:s22] =	ssyncadd.s32 $0xFFFFFF80  }
0x55: {  	[tilespmem:s29], [sflag:$0x2] =	stream.indirect.gather [hbm4b:s5+s23], $0x90, s26, s23, $0xb8;
	[tilespmem:$0x1FA10] =	vst v63  }
0x56: {  	_ =	swait.ge [sflag:s30], $0x4800  }
0x57: {  	[sflag:s30] =	ssyncset.done $0x0  }
0x58: {  	[sflag:s30] =	ssyncadd.s32 $0xFFFFB800  }
0x59: {  	[spmem:s3] =	stream.indirect.scatter.add.f32 [tilespmem:s24], [sflag:$0x3], $0x90, s23, s23, $0xb8;
	[tilespmem:$0x1FA10] =	vst v63  }
0x5a: {  	_ =	swait.ge [sflag:s22], $0x4800  }
0x5b: {  	s12 =	sshrl.u32 s11, $0x3;
	[sflag:s22] =	ssyncset.done $0x0  }
0x5c: {  	s12 =	sadd.s32 s2, s12;
	[sflag:s22] =	ssyncadd.s32 $0xFFFFB800  }
0x5d: {  	[tilespmem:s4], [sflag:$0x3] =	stream.linear.gather [hbm4b:s12+s4], $0x80, $0x38;
	[tilespmem:$0x1FA10] =	vst v63  }
0x5e: {  	_ =	swait.ge [sflag:s22], $0x80  }
0x5f: {  	[sflag:s22] =	ssyncset.done $0x0  }
0x60: {  	s12 =	sadd.s32 s10, s18;
	s10 =	smov.u32 s15;
	[sflag:s22] =	ssyncadd.s32 $0xFFFFFF80  }
0x61: {  	[tilespmem:s23], [sflag:$0x3] =	stream.linear.gather [hbm4b:s12+s4], $0x80, $0x38;
	[tilespmem:$0x1FA10] =	vst v63  }
0x62: {  	_ =	swait.ge [sflag:s22], $0x80  }
0x63: {  	[sflag:s22] =	ssyncset.done $0x0  }
0x64: {  	[sflag:s22] =	ssyncadd.s32 $0xFFFFFF80  }
0x65: {  	[tilespmem:s24], [sflag:$0x1] =	stream.indirect.gather [hbm4b:s5+s23], $0x90, s4, s23, $0xb8;
	[tilespmem:$0x1FA10] =	vst v63  }
0x66: {  	_ =	swait.ge [sflag:s31], $0x4800  }
.Ltmp0:
0x67: {  	[sflag:s31] =	ssyncset.done $0x0;
	(pc) =	sbr.rel @p0 .LBB2_2-.Ltmp0, $4  }
0x68: {  	[sflag:s31] =	ssyncadd.s32 $0xFFFFB800  }
0x69: {  	[spmem:s3] =	stream.indirect.scatter.add.f32 [tilespmem:s29], [sflag:$0x3], $0x90, s28, s23, $0xb8;
	[tilespmem:$0x1FA10] =	vst v63  }
0x6a: {  	_ =	swait.ge [sflag:s22], $0x4800  }
0x6b: {  	s11 =	sadd.s32 $0x100, s11;
	s12 =	smov.u32 s13;
	[sflag:s22] =	ssyncset.done $0x0  }
0x6c: {  	s12 =	sadd.s32 s10, s19;
	[sflag:s22] =	ssyncadd.s32 $0xFFFFB800  }
0x6d: {  	[tilespmem:s26], [sflag:$0x3] =	stream.linear.gather [hbm4b:s12+s4], $0x80, $0x38;
	[tilespmem:$0x1FA10] =	vst v63  }
0x6e: {  	_ =	swait.ge [sflag:s22], $0x80  }
0x6f: {  	[sflag:s22] =	ssyncset.done $0x0  }
0x70: {  	s13 =	sadd.s32 s10, s20;
	[sflag:s22] =	ssyncadd.s32 $0xFFFFFF80  }
0x71: {  	[tilespmem:s28], [sflag:$0x3] =	stream.linear.gather [hbm4b:s13+s4], $0x80, $0x38;
	[tilespmem:$0x1FA10] =	vst v63  }
0x72: {  	_ =	swait.ge [sflag:s22], $0x80  }
0x73: {  	[sflag:s22] =	ssyncset.done $0x0  }
0x74: {  	[sflag:s22] =	ssyncadd.s32 $0xFFFFFF80  }
0x75: {  	[tilespmem:s29], [sflag:$0x2] =	stream.indirect.gather [hbm4b:s5+s23], $0x90, s26, s23, $0xb8;
	[tilespmem:$0x1FA10] =	vst v63  }
0x76: {  	_ =	swait.ge [sflag:s30], $0x4800  }
0x77: {  	[sflag:s30] =	ssyncset.done $0x0  }
0x78: {  	[sflag:s30] =	ssyncadd.s32 $0xFFFFB800  }
0x79: {  	[spmem:s3] =	stream.indirect.scatter.add.f32 [tilespmem:s24], [sflag:$0x3], $0x90, s23, s23, $0xb8;
	[tilespmem:$0x1FA10] =	vst v63  }
0x7a: {  	_ =	swait.ge [sflag:s22], $0x4800  }
0x7b: {  	s11 =	sshrl.u32 s11, $0x3;
	[sflag:s22] =	ssyncset.done $0x0  }
0x7c: {  	s11 =	sadd.s32 s2, s11;
	[sflag:s22] =	ssyncadd.s32 $0xFFFFB800  }
0x7d: {  	[tilespmem:s4], [sflag:$0x3] =	stream.linear.gather [hbm4b:s11+s4], $0x80, $0x38;
	[tilespmem:$0x1FA10] =	vst v63  }
0x7e: {  	_ =	swait.ge [sflag:s22], $0x80  }
0x7f: {  	[sflag:s22] =	ssyncset.done $0x0  }
0x80: {  	s14 =	sadd.s32 s10, s18;
	[sflag:s22] =	ssyncadd.s32 $0xFFFFFF80  }
0x81: {  	[tilespmem:s23], [sflag:$0x3] =	stream.linear.gather [hbm4b:s14+s4], $0x80, $0x38;
	[tilespmem:$0x1FA10] =	vst v63  }
0x82: {  	_ =	swait.ge [sflag:s22], $0x80  }
0x83: {  	[sflag:s22] =	ssyncset.done $0x0  }
0x84: {  	[sflag:s22] =	ssyncadd.s32 $0xFFFFFF80  }
0x85: {  	[tilespmem:s24], [sflag:$0x1] =	stream.indirect.gather [hbm4b:s5+s23], $0x90, s4, s23, $0xb8;
	[tilespmem:$0x1FA10] =	vst v63  }
0x86: {  	_ =	swait.ge [sflag:s31], $0x4800  }
0x87: {  	[sflag:s31] =	ssyncset.done $0x0  }
0x88: {  	[sflag:s31] =	ssyncadd.s32 $0xFFFFB800  }
0x89: {  	[spmem:s3] =	stream.indirect.scatter.add.f32 [tilespmem:s29], [sflag:$0x3], $0x90, s28, s23, $0xb8;
	[tilespmem:$0x1FA10] =	vst v63  }
0x8a: {  	_ =	swait.ge [sflag:s22], $0x4800  }
0x8b: {  	[sflag:s22] =	ssyncset.done $0x0  }
0x8c: {  	s15 =	rddreg [dreg:$0x6];
	[sflag:s22] =	ssyncadd.s32 $0xFFFFB800  }
0x8d: {  	[tilespmem:s26], [sflag:$0x3] =	stream.linear.gather [hbm4b:s15+s4], $0x80, $0x38;
	[tilespmem:$0x1FA10] =	vst v63  }
0x8e: {  	_ =	swait.ge [sflag:s22], $0x80  }
0x8f: {  	[sflag:s22] =	ssyncset.done $0x0  }
0x90: {  	s11 =	rddreg [dreg:$0x7];
	[sflag:s22] =	ssyncadd.s32 $0xFFFFFF80  }
0x91: {  	[tilespmem:s28], [sflag:$0x3] =	stream.linear.gather [hbm4b:s11+s4], $0x80, $0x38;
	[tilespmem:$0x1FA10] =	vst v63  }
0x92: {  	_ =	swait.ge [sflag:s22], $0x80  }
0x93: {  	[sflag:s22] =	ssyncset.done $0x0  }
0x94: {  	[sflag:s22] =	ssyncadd.s32 $0xFFFFFF80  }
0x95: {  	[tilespmem:s29], [sflag:$0x2] =	stream.indirect.gather [hbm4b:s5+s23], $0x90, s26, s23, $0xb8;
	[tilespmem:$0x1FA10] =	vst v63  }
0x96: {  	_ =	swait.ge [sflag:s30], $0x4800  }
0x97: {  	[sflag:s30] =	ssyncset.done $0x0  }
0x98: {  	[sflag:s30] =	ssyncadd.s32 $0xFFFFB800  }
0x99: {  	[spmem:s3] =	stream.indirect.scatter.add.f32 [tilespmem:s24], [sflag:$0x3], $0x90, s23, s23, $0xb8;
	[tilespmem:$0x1FA10] =	vst v63  }
0x9a: {  	_ =	swait.ge [sflag:s22], $0x4800  }
0x9b: {  	[sflag:s22] =	ssyncset.done $0x0  }
0x9c: {  	[sflag:s22] =	ssyncadd.s32 $0xFFFFB800  }
0x9d: {  	_ =	swait.ge [sflag:s31], $0x4800  }
0x9e: {  	[sflag:s31] =	ssyncset.done $0x0  }
0x9f: {  	[sflag:s31] =	ssyncadd.s32 $0xFFFFB800  }
0xa0: {  	[spmem:s3] =	stream.indirect.scatter.add.f32 [tilespmem:s29], [sflag:$0x3], $0x90, s28, s23, $0xb8;
	[tilespmem:$0x1FA10] =	vst v63  }
0xa1: {  	_ =	swait.ge [sflag:s22], $0x4800  }
0xa2: {  	[sflag:s22] =	ssyncset.done $0x0  }
0xa3: {  	s12 =	rddreg [dreg:$0x8];
	[sflag:s22] =	ssyncadd.s32 $0xFFFFB800  }
0xa4: {  	[tilespmem:s4], [sflag:$0x3] =	stream.linear.gather [hbm4b:s12+s4], $0x10, $0x38;
	[tilespmem:$0x1FA10] =	vst v63  }
0xa5: {  	_ =	swait.ge [sflag:s22], $0x10  }
0xa6: {  	[sflag:s22] =	ssyncset.done $0x0  }
0xa7: {  	s13 =	rddreg [dreg:$0x9];
	[sflag:s22] =	ssyncadd.s32 $0xFFFFFFF0  }
0xa8: {  	[tilespmem:s1], [sflag:$0x3] =	stream.linear.gather [hbm4b:s13+s4], $0x10, $0x38;
	[tilespmem:$0x1FA10] =	vst v63  }
0xa9: {  	_ =	swait.ge [sflag:s22], $0x10  }
0xaa: {  	[sflag:s22] =	ssyncset.done $0x0  }
0xab: {  	[sflag:s22] =	ssyncadd.s32 $0xFFFFFFF0  }
0xac: {  	[tilespmem:s24], [sflag:$0x1] =	stream.indirect.gather [hbm4b:s5+s0], $0x90, s4, s0, $0xb8;
	[tilespmem:$0x1FA10] =	vst v63  }
0xad: {  	_ =	swait.ge [sflag:s30], $0x900  }
0xae: {  	[sflag:s30] =	ssyncset.done $0x0  }
0xaf: {  	[sflag:s30] =	ssyncadd.s32 $0xFFFFF700  }
0xb0: {  	[spmem:s3] =	stream.indirect.scatter.add.f32 [tilespmem:s24], [sflag:$0x3], $0x90, s1, s0, $0xb8;
	[tilespmem:$0x1FA10] =	vst v63  }
0xb1: {  	_ =	swait.ge [sflag:s22], $0x900  }
0xb2: {  	[sflag:s22] =	ssyncset.done $0x0  }
0xb3: {  	[sflag:s22] =	ssyncadd.s32 $0xFFFFF700  }
0xb4: {  	[bflag:$0x0] =	sbarrier.arrive $0xFFFF  }
0xb5: {  	s14 =	rddreg [dreg:$0xa]  }
0xb6: {  	[hbm:s14@s0], [sflag:s7] =	dma.strided [spmem:s21@s6], $0x2800, s30, $0x10   }
0xb7: {  	s9 =	sadd.s32 $0x1, s9;
	_ =	swait.ge [sflag:s22], $0x2800  }
0xb8: {  	p0 =	sne.s32 s9, s16;
	[sflag:s22] =	ssyncset.done $0x0  }
.Ltmp1:
0xb9: {  	s15 =	rddreg [dreg:$0xb];
	[sflag:s22] =	ssyncadd.s32 $0xFFFFD800;
	(pc) =	sbr.rel @p0 .LBB2_1-.Ltmp1, $4  }
0xba: {  	[hbm:s15@s31], [sflag:s7] =	dma.strided [spmem:s25@s6], $0x500, s30, $0x2   }
0xbb: {  	_ =	swait.ge [sflag:s22], $0x500  }
0xbc: {  	[sflag:s22] =	ssyncset.done $0x0  }
0xbd: {  	[sflag:s22] =	ssyncadd.s32 $0xFFFFFB00  }
0xbe: {  	_ =	sfence.sel $0x180000  }
0xbf: {  	[bflag:$0x0] =	sbarrier.arrive $0xFFFF  }
0xc0: {  	_ =	strace $0x90000047  }
0xc1: {  	s0 =	stileid.u32;
	[bflag:$0x2] =	sbarrier.arrive $0xFFFF  }
0xc2: {  	p0 =	sne.s32 s0, $0x0;
	s0 =	rddreg [dreg:$0x3]  }
0xc3: {  	s0 =	sadd.s32 @!p0 $0x100000, s0  }
0xc4: {  	[sflag:s0] =	ssyncadd.tile.s32 @!p0 $0x1;
	_ =	shalt  }
.Lfunc_end2:
_tile_overlayer_lowered:
.L_overlay_start_2:
0xc5: {  	(tag) =	ssettag $0x2  }
0xc6: {  	s0 =	rddreg [dreg:$0x0];
	s2 =	stileid.u32  }
0xc7: {  	s1 =	rddreg [dreg:$0x1];
	p0 =	sne.s32 s2, $0x0  }
0xc8: {  	s3 =	rddreg [dreg:$0x2];
	[bflag:$0x3] =	sbarrier.arrive $0xFFFF;
	s2 =	simm.s32 @!p0 $0x1C03  }
0xc9: {  	[timem:s3], [sflag:s2] =	dma.local @!p0 [hbm:s0], s1  }
0xca: {  	s0 =	simm.s32 @!p0 $0x3  }
0xcb: {  	_ =	swait.ge @!p0 [sflag:s0], s1  }
0xcc: {  	s1 =	ssub.s32 @!p0 $0x0, s1;
	[sflag:s0] =	ssyncset.done @!p0 $0x0  }
0xcd: {  	[sflag:s0] =	ssyncadd.s32 @!p0 s1  }
0xce: {  	[bflag:$0x3] =	sbarrier.arrive $0xFFFF  }
0xcf: {  	_ =	shalt  }

</sc_bundles>
